<compile_context>
chip_gen: v7x
topology: tpu7x:2x2x1
jax: 0.10.2.dev20260603
libtpu: 0.0.44.dev20260713+nightly
codegen_flags: <defaults>
</compile_context>

<pallas_src>
import functools
import math

import numpy as np

import jax
import jax.numpy as jnp
from jax import lax
from jax.experimental import pallas as pl
from jax.experimental.pallas import tpu as pltpu
from jax.experimental.pallas import tpu_sc as plsc

B, S, V, D = 2, 2048, 32000, 1024
MASK_PROB, REPLACE_PROB = 0.15, 0.9
PAD_ID, MASK_ID = 0, 2
MAX_MASKED = math.ceil(MASK_PROB * S)
RPAD = 384
N = B * RPAD
PCHUNK = 256
NBLK = 10
BLKV = V // NBLK

NB0, NB1 = 232, 200
OFF0, OFF1 = 1, 1 + NB0
NDIST = 1 + NB0 + NB1
NDIST_PAD = 512

_SC_NC, _SC_NS = 2, 16
NW = _SC_NC * _SC_NS


def _prep_body(seq_row_ref, seq_col_ref, u_row_ref, u_col_ref, rep_col_ref,
               smap_ref, lab_ref, val_ref, dtok0_ref, dtok1_ref):
    q_ids = lax.broadcasted_iota(jnp.int32, (1, S), 1)
    r_ids = lax.broadcasted_iota(jnp.int32, (1, RPAD), 1)
    j_ids = lax.broadcasted_iota(jnp.int32, (RPAD, 1), 0)
    ltri = (j_ids < r_ids).astype(jnp.float32)
    for b in range(B):
        seq_r = seq_row_ref[b]
        seq_c = seq_col_ref[b]
        u_r = u_row_ref[b]
        u_c = u_col_ref[b]
        rep_c = rep_col_ref[b] < REPLACE_PROB
        allowed_r = seq_r != PAD_ID
        allowed_c = seq_c != PAD_ID
        rand_r = jnp.where(allowed_r, u_r, -1e9)
        rand_c = jnp.where(allowed_c, u_c, -1e9)

        num_tokens = jnp.sum(allowed_r.astype(jnp.int32))
        thr = jnp.ceil(num_tokens.astype(jnp.float32) * MASK_PROB)
        tri = (q_ids <= j_ids) & allowed_r
        cum = jnp.sum(tri.astype(jnp.int32), axis=1, keepdims=True)
        keep = (cum.astype(jnp.float32) <= thr) & (j_ids < MAX_MASKED)
        keff = jnp.sum(keep.astype(jnp.int32))

        lab_row = jnp.zeros((1, RPAD), jnp.int32)
        nrep_row = jnp.zeros((1, RPAD), jnp.int32)
        for c0 in range(0, S, PCHUNK):
            rc = rand_c[c0:c0 + PCHUNK]
            p_ids = lax.broadcasted_iota(jnp.int32, (PCHUNK, 1), 0) + c0
            better = (rand_r > rc) | ((rand_r == rc) & (q_ids < p_ids))
            rank_c = jnp.sum(better.astype(jnp.int32), axis=1, keepdims=True)
            mask_c = rank_c < keff
            nrep_c = (mask_c & ~rep_c[c0:c0 + PCHUNK]).astype(jnp.int32)
            onehot = (rank_c == r_ids).astype(jnp.int32)
            lab_row = lab_row + jnp.sum(onehot * seq_c[c0:c0 + PCHUNK],
                                        axis=0, keepdims=True)
            nrep_row = nrep_row + jnp.sum(onehot * nrep_c, axis=0,
                                          keepdims=True)
        val_row = (r_ids < keff) & (lab_row != PAD_ID)

        pfx_row = lax.dot_general(nrep_row.astype(jnp.float32), ltri,
                                  (((1,), (0,)), ((), ())),
                                  preferred_element_type=jnp.float32)
        pfx_row = pfx_row.astype(jnp.int32)
        off = OFF0 if b == 0 else OFF1
        smap_row = jnp.where(nrep_row == 1, off + pfx_row, 0)
        nb = NB0 if b == 0 else NB1
        d_ids = lax.broadcasted_iota(jnp.int32, (nb, 1), 0)
        hit = ((d_ids == pfx_row) & (nrep_row == 1)).astype(jnp.int32)
        dtok = jnp.sum(hit * lab_row, axis=1, keepdims=True)
        nr_b = jnp.sum(nrep_row)
        dtok = jnp.where(d_ids < nr_b, dtok, d_ids + 3)
        smap_ref[b] = smap_row
        lab_ref[b] = lab_row
        val_ref[b] = val_row.astype(jnp.float32)
        if b == 0:
            dtok0_ref[...] = dtok
        else:
            dtok1_ref[...] = dtok


def _prep(seq_row, seq_col, u_row, u_col, rep_col):
    return pl.pallas_call(
        _prep_body,
        out_shape=[
            jax.ShapeDtypeStruct((B, 1, RPAD), jnp.int32),
            jax.ShapeDtypeStruct((B, 1, RPAD), jnp.int32),
            jax.ShapeDtypeStruct((B, 1, RPAD), jnp.float32),
            jax.ShapeDtypeStruct((NB0, 1), jnp.int32),
            jax.ShapeDtypeStruct((NB1, 1), jnp.int32),
        ],
    )(seq_row, seq_col, u_row, u_col, rep_col)


def _gather_rows(table, idx, nrows):
    bpw = nrows // NW
    mesh = plsc.VectorSubcoreMesh(core_axis_name="c", subcore_axis_name="s")

    @functools.partial(
        pl.kernel,
        mesh=mesh,
        out_type=jax.ShapeDtypeStruct((nrows, D), jnp.float32),
        scratch_types=[
            pltpu.VMEM((bpw,), jnp.int32),
            pltpu.VMEM((bpw, D), jnp.float32),
            pltpu.SemaphoreType.DMA,
        ],
    )
    def gather_kernel(table_hbm, idx_hbm, out_hbm, idx_v, rows_v, sem):
        wid = lax.axis_index("s") * _SC_NC + lax.axis_index("c")
        base = wid * bpw
        pltpu.sync_copy(idx_hbm.at[pl.ds(base, bpw)], idx_v)
        pltpu.async_copy(table_hbm.at[idx_v], rows_v, sem).wait()
        pltpu.sync_copy(rows_v, out_hbm.at[pl.ds(base, bpw)])

    return gather_kernel(table, idx)


def _lse_body(emb_ref, w_ref, s_out_ref, s_ref, embbf_ref):
    j = pl.program_id(0)

    @pl.when(j == 0)
    def _():
        s_ref[...] = jnp.zeros((NDIST_PAD, 1), jnp.float32)
        embbf_ref[...] = emb_ref[...].astype(jnp.bfloat16)

    logits = lax.dot_general(embbf_ref[...],
                             w_ref[...].astype(jnp.bfloat16),
                             (((1,), (1,)), ((), ())),
                             preferred_element_type=jnp.float32)
    s_ref[...] += jnp.sum(jnp.exp(logits), axis=1, keepdims=True)

    @pl.when(j == NBLK - 1)
    def _():
        s_out_ref[...] = s_ref[...]


def _lse(dist_emb, W):
    return pl.pallas_call(
        _lse_body,
        grid=(NBLK,),
        in_specs=[
            pl.BlockSpec((NDIST_PAD, D), lambda j: (0, 0)),
            pl.BlockSpec((BLKV, D), lambda j: (j, 0)),
        ],
        out_specs=pl.BlockSpec((NDIST_PAD, 1), lambda j: (0, 0)),
        out_shape=jax.ShapeDtypeStruct((NDIST_PAD, 1), jnp.float32),
        scratch_shapes=[
            pltpu.VMEM((NDIST_PAD, 1), jnp.float32),
            pltpu.VMEM((NDIST_PAD, D), jnp.bfloat16),
        ],
        compiler_params=pltpu.CompilerParams(
            dimension_semantics=("arbitrary",)),
    )(dist_emb, W)


def _finalize_body(s_ref, dist_emb_ref, wlab_ref, smap_ref, val_ref, out_ref):
    dist_ids = lax.broadcasted_iota(jnp.int32, (1, NDIST_PAD), 1)
    onehot = (smap_ref[...] == dist_ids).astype(jnp.float32)
    emb_slot = lax.dot_general(onehot, dist_emb_ref[...],
                               (((1,), (0,)), ((), ())),
                               preferred_element_type=jnp.float32)
    g = jnp.sum(emb_slot * wlab_ref[...], axis=1, keepdims=True)
    logs_slot = lax.dot_general(onehot, jnp.log(s_ref[...]),
                                (((1,), (0,)), ((), ())),
                                preferred_element_type=jnp.float32)
    nll = logs_slot - g
    v = val_ref[...]
    loss = jnp.sum(nll * v) / jnp.maximum(jnp.sum(v), 1.0)
    out_ref[...] = loss.reshape(1, 1)


def _finalize(s, dist_emb, wlab, smap_col, val_col):
    return pl.pallas_call(
        _finalize_body,
        out_shape=jax.ShapeDtypeStruct((1, 1), jnp.float32),
    )(s, dist_emb, wlab, smap_col, val_col)


_PAD_TOKENS = np.arange(3, 3 + NDIST_PAD - NDIST, dtype=np.int32)


def kernel(seq, emb_table, cls_tok, W, b):
    del cls_tok
    del b
    key = jax.random.key(42)
    k_mask, k_rep = jax.random.split(key)
    u_mask = jax.random.uniform(k_mask, (B, S), dtype=jnp.float32)
    u_rep = jax.random.uniform(k_rep, (B, S), dtype=jnp.float32)

    smap, lab, val, dtok0, dtok1 = _prep(
        seq.reshape(B, 1, S), seq.reshape(B, S, 1),
        u_mask.reshape(B, 1, S), u_mask.reshape(B, S, 1),
        u_rep.reshape(B, S, 1))

    dist_tok = jnp.concatenate([
        jnp.asarray([MASK_ID], jnp.int32), dtok0.reshape(NB0),
        dtok1.reshape(NB1), jnp.asarray(_PAD_TOKENS)])
    dist_emb = _gather_rows(emb_table, dist_tok, NDIST_PAD)
    wlab = _gather_rows(W, lab.reshape(N), N)
    s = _lse(dist_emb, W)
    out = _finalize(s, dist_emb, wlab, smap.reshape(N, 1), val.reshape(N, 1))
    return out[0, 0]

# --- scband reference (transcript-rebuilt; emitter-appended) ---
"""Pipeline reference for scband-mlm-70987219468623 (READ-ONLY COPY).

The authoritative reference and input builder live on the scoring server;
editing this copy changes nothing except your own understanding.
"""

import math
import jax, jax.numpy as jnp
import numpy as np

B, S, V, D = 2, 2048, 32000, 1024
MASK_PROB, REPLACE_PROB = 0.15, 0.9
PAD_ID, MASK_ID = 0, 2


def setup_inputs(seed: int = 0) -> dict:
    key = jax.random.key(seed)
    k0, k1, k2, k3, k4 = jax.random.split(key, 5)
    seq = jax.random.randint(k0, (B, S), 0, V, dtype=jnp.int32)
    emb_table = jax.random.normal(k1, (V, D), dtype=jnp.float32) * 0.02
    cls_tok = jax.random.normal(k2, (D,), dtype=jnp.float32) * 0.02
    W = jax.random.normal(k3, (V, D), dtype=jnp.float32) * 0.02
    b = jnp.zeros((V,), dtype=jnp.float32)
    return {"seq": seq, "emb_table": emb_table, "cls_tok": cls_tok, "W": W, "b": b}


def _get_mask_subset_with_prob(allowed, prob, key):
    batch, seq_len = allowed.shape
    max_masked = math.ceil(prob * seq_len)
    num_tokens = allowed.sum(axis=-1, keepdims=True)
    mask_excess = jnp.cumsum(allowed.astype(jnp.int32), axis=-1) > jnp.ceil(num_tokens * prob)
    mask_excess = mask_excess[:, :max_masked]
    rand = jnp.where(allowed, jax.random.uniform(key, (batch, seq_len), dtype=jnp.float32), -1e9)
    _, sampled_indices = jax.lax.top_k(rand, max_masked)
    sampled_indices = jnp.where(mask_excess, 0, sampled_indices + 1)
    new_mask = jnp.zeros((batch, seq_len + 1), jnp.float32).at[jnp.arange(batch)[:, None], sampled_indices].set(1.0)
    return new_mask[:, 1:] > 0


def reference(seq, emb_table, cls_tok, W, b):
    key = jax.random.key(42)
    k_mask, k_rep = jax.random.split(key)
    no_mask = seq == PAD_ID
    mask = _get_mask_subset_with_prob(~no_mask, MASK_PROB, k_mask)
    labels = jnp.where(mask, seq, PAD_ID)
    replace = jax.random.uniform(k_rep, seq.shape, dtype=jnp.float32) < REPLACE_PROB
    masked_seq = jnp.where(mask & replace, MASK_ID, seq)
    # transformer stub: CLS token prepended + embedding lookup -> [B, S+1, D]
    emb = jnp.take(emb_table, masked_seq, axis=0)
    emb = jnp.concatenate([jnp.broadcast_to(cls_tok, (seq.shape[0], 1, emb_table.shape[1])), emb], axis=1)
    logits = emb @ W.T + b
    logits = logits[:, 1:]
    logp = jax.nn.log_softmax(logits, axis=-1)
    nll = -jnp.take_along_axis(logp, labels[..., None], axis=-1)[..., 0]
    valid = (labels != PAD_ID).astype(jnp.float32)
    loss = jnp.sum(nll * valid) / jnp.maximum(valid.sum(), 1.0)
    return loss

if __name__ == "__main__":
    import jax
    _d = setup_inputs()
    print(jax.jit(kernel)(*tuple(_d.values())))

</pallas_src>

<mosaic_0001>
#map = affine_map<(d0, d1) -> (0, 0)>
#map1 = affine_map<(d0, d1) -> (0)>
module attributes {stable_mosaic.version = 14 : i64} {
  func.func @gather_kernel(%arg0: i32, %arg1: i32, %arg2: memref<32000x1024xf32, #tpu.memory_space<hbm>>, %arg3: memref<512xi32, #tpu.memory_space<hbm>>, %arg4: memref<512x1024xf32, #tpu.memory_space<hbm>>, %arg5: memref<16xi32, #tpu.memory_space<vmem>>, %arg6: memref<16x1024xf32, #tpu.memory_space<vmem>>, %arg7: memref<!tpu.dma_semaphore, #tpu.memory_space<semaphore_mem>>) attributes {dimension_semantics = [#tpu.dimension_semantics<core_parallel>, #tpu.dimension_semantics<subcore_parallel>], iteration_bounds = array<i64: 2, 16>, scalar_prefetch = 0 : i64, scratch_operands = 3 : i64, tpu.core_type = #tpu.core_type<sc_vector_subcore>, window_params = [{transform_indices = #map}, {transform_indices = #map1}, {transform_indices = #map}]} {
    %mul3A = arith.constant 2 : i32
    %mul3A_0 = arith.muli %arg1, %mul3A : i32
    %add3A = arith.addi %mul3A_0, %arg0 : i32
    %mul3A_1 = arith.constant 16 : i32
    %mul3A_2 = arith.muli %add3A, %mul3A_1 : i32
    "tpu.region"() ({
      %run_scoped3A = tpu.sem_alloc : memref<!tpu.dma_semaphore, #tpu.memory_space<semaphore_mem>>
      %dma_start3A_7 = tpu.memref_slice %arg3[%mul3A_2] : memref<512xi32, #tpu.memory_space<hbm>> -> memref<16xi32, #tpu.memory_space<hbm>>
      %dma_start3A_8 = tpu.memref_slice %arg3[%mul3A_2] : memref<512xi32, #tpu.memory_space<hbm>> -> memref<16xi32, #tpu.memory_space<hbm>>
      tpu.enqueue_dma source(%dma_start3A_8 : memref<16xi32, #tpu.memory_space<hbm>>) target(%arg5 : memref<16xi32, #tpu.memory_space<vmem>>) target_semaphore(%run_scoped3A : memref<!tpu.dma_semaphore, #tpu.memory_space<semaphore_mem>>)
      %dma_wait3A_9 = tpu.memref_slice %arg3[%mul3A_2] : memref<512xi32, #tpu.memory_space<hbm>> -> memref<16xi32, #tpu.memory_space<hbm>>
      %dma_wait3A_10 = tpu.memref_slice %arg3[%mul3A_2] : memref<512xi32, #tpu.memory_space<hbm>> -> memref<16xi32, #tpu.memory_space<hbm>>
      tpu.wait_dma2 semaphore(%run_scoped3A : memref<!tpu.dma_semaphore, #tpu.memory_space<semaphore_mem>>) src(%dma_wait3A_10 : memref<16xi32, #tpu.memory_space<hbm>>) dst(%arg5 : memref<16xi32, #tpu.memory_space<vmem>>)
      tpu.yield
    }) : () -> ()
    %dma_start3A = arith.constant 0 : i32
    %dma_start3A_3 = arith.constant 0 : i32
    %dma_start3A_4 = tpu.memref_slice %arg2[%dma_start3A, %dma_start3A_3] : memref<32000x1024xf32, #tpu.memory_space<hbm>> -> memref<32000x1024xf32, #tpu.memory_space<hbm>>
    tpu.enqueue_indirect_dma source(%dma_start3A_4 : memref<32000x1024xf32, #tpu.memory_space<hbm>>) target(%arg6 : memref<16x1024xf32, #tpu.memory_space<vmem>>) offsets(%arg5 : memref<16xi32, #tpu.memory_space<vmem>>) semaphore(%arg7 : memref<!tpu.dma_semaphore, #tpu.memory_space<semaphore_mem>>)
    %dma_wait3A = arith.constant 0 : i32
    %dma_wait3A_5 = arith.constant 0 : i32
    %dma_wait3A_6 = tpu.memref_slice %arg2[%dma_wait3A, %dma_wait3A_5] : memref<32000x1024xf32, #tpu.memory_space<hbm>> -> memref<32000x1024xf32, #tpu.memory_space<hbm>>
    tpu.wait_indirect_dma semaphore(%arg7 : memref<!tpu.dma_semaphore, #tpu.memory_space<semaphore_mem>>) src(%dma_wait3A_6 : memref<32000x1024xf32, #tpu.memory_space<hbm>>) dst(%arg6 : memref<16x1024xf32, #tpu.memory_space<vmem>>)
    "tpu.region"() ({
      %run_scoped3A = tpu.sem_alloc : memref<!tpu.dma_semaphore, #tpu.memory_space<semaphore_mem>>
      %dma_start3A_7 = arith.constant 0 : i32
      %dma_start3A_8 = tpu.memref_slice %arg4[%mul3A_2, %dma_start3A_7] : memref<512x1024xf32, #tpu.memory_space<hbm>> -> memref<16x1024xf32, #tpu.memory_space<hbm>>
      %dma_start3A_9 = arith.constant 0 : i32
      %dma_start3A_10 = tpu.memref_slice %arg4[%mul3A_2, %dma_start3A_9] : memref<512x1024xf32, #tpu.memory_space<hbm>> -> memref<16x1024xf32, #tpu.memory_space<hbm>>
      tpu.enqueue_dma source(%arg6 : memref<16x1024xf32, #tpu.memory_space<vmem>>) target(%dma_start3A_10 : memref<16x1024xf32, #tpu.memory_space<hbm>>) target_semaphore(%run_scoped3A : memref<!tpu.dma_semaphore, #tpu.memory_space<semaphore_mem>>)
      %dma_wait3A_11 = arith.constant 0 : i32
      %dma_wait3A_12 = tpu.memref_slice %arg4[%mul3A_2, %dma_wait3A_11] : memref<512x1024xf32, #tpu.memory_space<hbm>> -> memref<16x1024xf32, #tpu.memory_space<hbm>>
      %dma_wait3A_13 = arith.constant 0 : i32
      %dma_wait3A_14 = tpu.memref_slice %arg4[%mul3A_2, %dma_wait3A_13] : memref<512x1024xf32, #tpu.memory_space<hbm>> -> memref<16x1024xf32, #tpu.memory_space<hbm>>
      tpu.wait_dma2 semaphore(%run_scoped3A : memref<!tpu.dma_semaphore, #tpu.memory_space<semaphore_mem>>) src(%arg6 : memref<16x1024xf32, #tpu.memory_space<vmem>>) dst(%dma_wait3A_14 : memref<16x1024xf32, #tpu.memory_space<hbm>>)
      tpu.yield
    }) : () -> ()
    return
  }
}

#map = affine_map<(d0, d1) -> (0, 0)>
#map1 = affine_map<(d0, d1) -> (0)>
module attributes {stable_mosaic.version = 14 : i64} {
  func.func @gather_kernel(%arg0: i32, %arg1: i32, %arg2: memref<32000x1024xf32, #tpu.memory_space<hbm>>, %arg3: memref<768xi32, #tpu.memory_space<hbm>>, %arg4: memref<768x1024xf32, #tpu.memory_space<hbm>>, %arg5: memref<24xi32, #tpu.memory_space<vmem>>, %arg6: memref<24x1024xf32, #tpu.memory_space<vmem>>, %arg7: memref<!tpu.dma_semaphore, #tpu.memory_space<semaphore_mem>>) attributes {dimension_semantics = [#tpu.dimension_semantics<core_parallel>, #tpu.dimension_semantics<subcore_parallel>], iteration_bounds = array<i64: 2, 16>, scalar_prefetch = 0 : i64, scratch_operands = 3 : i64, tpu.core_type = #tpu.core_type<sc_vector_subcore>, window_params = [{transform_indices = #map}, {transform_indices = #map1}, {transform_indices = #map}]} {
    %mul3A = arith.constant 2 : i32
    %mul3A_0 = arith.muli %arg1, %mul3A : i32
    %add3A = arith.addi %mul3A_0, %arg0 : i32
    %mul3A_1 = arith.constant 24 : i32
    %mul3A_2 = arith.muli %add3A, %mul3A_1 : i32
    "tpu.region"() ({
      %run_scoped3A = tpu.sem_alloc : memref<!tpu.dma_semaphore, #tpu.memory_space<semaphore_mem>>
      %dma_start3A_7 = tpu.memref_slice %arg3[%mul3A_2] : memref<768xi32, #tpu.memory_space<hbm>> -> memref<24xi32, #tpu.memory_space<hbm>>
      %dma_start3A_8 = tpu.memref_slice %arg3[%mul3A_2] : memref<768xi32, #tpu.memory_space<hbm>> -> memref<24xi32, #tpu.memory_space<hbm>>
      tpu.enqueue_dma source(%dma_start3A_8 : memref<24xi32, #tpu.memory_space<hbm>>) target(%arg5 : memref<24xi32, #tpu.memory_space<vmem>>) target_semaphore(%run_scoped3A : memref<!tpu.dma_semaphore, #tpu.memory_space<semaphore_mem>>)
      %dma_wait3A_9 = tpu.memref_slice %arg3[%mul3A_2] : memref<768xi32, #tpu.memory_space<hbm>> -> memref<24xi32, #tpu.memory_space<hbm>>
      %dma_wait3A_10 = tpu.memref_slice %arg3[%mul3A_2] : memref<768xi32, #tpu.memory_space<hbm>> -> memref<24xi32, #tpu.memory_space<hbm>>
      tpu.wait_dma2 semaphore(%run_scoped3A : memref<!tpu.dma_semaphore, #tpu.memory_space<semaphore_mem>>) src(%dma_wait3A_10 : memref<24xi32, #tpu.memory_space<hbm>>) dst(%arg5 : memref<24xi32, #tpu.memory_space<vmem>>)
      tpu.yield
    }) : () -> ()
    %dma_start3A = arith.constant 0 : i32
    %dma_start3A_3 = arith.constant 0 : i32
    %dma_start3A_4 = tpu.memref_slice %arg2[%dma_start3A, %dma_start3A_3] : memref<32000x1024xf32, #tpu.memory_space<hbm>> -> memref<32000x1024xf32, #tpu.memory_space<hbm>>
    tpu.enqueue_indirect_dma source(%dma_start3A_4 : memref<32000x1024xf32, #tpu.memory_space<hbm>>) target(%arg6 : memref<24x1024xf32, #tpu.memory_space<vmem>>) offsets(%arg5 : memref<24xi32, #tpu.memory_space<vmem>>) semaphore(%arg7 : memref<!tpu.dma_semaphore, #tpu.memory_space<semaphore_mem>>)
    %dma_wait3A = arith.constant 0 : i32
    %dma_wait3A_5 = arith.constant 0 : i32
    %dma_wait3A_6 = tpu.memref_slice %arg2[%dma_wait3A, %dma_wait3A_5] : memref<32000x1024xf32, #tpu.memory_space<hbm>> -> memref<32000x1024xf32, #tpu.memory_space<hbm>>
    tpu.wait_indirect_dma semaphore(%arg7 : memref<!tpu.dma_semaphore, #tpu.memory_space<semaphore_mem>>) src(%dma_wait3A_6 : memref<32000x1024xf32, #tpu.memory_space<hbm>>) dst(%arg6 : memref<24x1024xf32, #tpu.memory_space<vmem>>)
    "tpu.region"() ({
      %run_scoped3A = tpu.sem_alloc : memref<!tpu.dma_semaphore, #tpu.memory_space<semaphore_mem>>
      %dma_start3A_7 = arith.constant 0 : i32
      %dma_start3A_8 = tpu.memref_slice %arg4[%mul3A_2, %dma_start3A_7] : memref<768x1024xf32, #tpu.memory_space<hbm>> -> memref<24x1024xf32, #tpu.memory_space<hbm>>
      %dma_start3A_9 = arith.constant 0 : i32
      %dma_start3A_10 = tpu.memref_slice %arg4[%mul3A_2, %dma_start3A_9] : memref<768x1024xf32, #tpu.memory_space<hbm>> -> memref<24x1024xf32, #tpu.memory_space<hbm>>
      tpu.enqueue_dma source(%arg6 : memref<24x1024xf32, #tpu.memory_space<vmem>>) target(%dma_start3A_10 : memref<24x1024xf32, #tpu.memory_space<hbm>>) target_semaphore(%run_scoped3A : memref<!tpu.dma_semaphore, #tpu.memory_space<semaphore_mem>>)
      %dma_wait3A_11 = arith.constant 0 : i32
      %dma_wait3A_12 = tpu.memref_slice %arg4[%mul3A_2, %dma_wait3A_11] : memref<768x1024xf32, #tpu.memory_space<hbm>> -> memref<24x1024xf32, #tpu.memory_space<hbm>>
      %dma_wait3A_13 = arith.constant 0 : i32
      %dma_wait3A_14 = tpu.memref_slice %arg4[%mul3A_2, %dma_wait3A_13] : memref<768x1024xf32, #tpu.memory_space<hbm>> -> memref<24x1024xf32, #tpu.memory_space<hbm>>
      tpu.wait_dma2 semaphore(%run_scoped3A : memref<!tpu.dma_semaphore, #tpu.memory_space<semaphore_mem>>) src(%arg6 : memref<24x1024xf32, #tpu.memory_space<vmem>>) dst(%dma_wait3A_14 : memref<24x1024xf32, #tpu.memory_space<hbm>>)
      tpu.yield
    }) : () -> ()
    return
  }
}

module attributes {stable_mosaic.version = 14 : i64} {
  func.func @_prep_body(%arg0: memref<2x1x2048xi32, #tpu.memory_space<vmem>>, %arg1: memref<2x2048x1xi32, #tpu.memory_space<vmem>>, %arg2: memref<2x1x2048xf32, #tpu.memory_space<vmem>>, %arg3: memref<2x2048x1xf32, #tpu.memory_space<vmem>>, %arg4: memref<2x2048x1xf32, #tpu.memory_space<vmem>>, %arg5: memref<2x1x384xi32, #tpu.memory_space<vmem>>, %arg6: memref<2x1x384xi32, #tpu.memory_space<vmem>>, %arg7: memref<2x1x384xf32, #tpu.memory_space<vmem>>, %arg8: memref<232x1xi32, #tpu.memory_space<vmem>>, %arg9: memref<200x1xi32, #tpu.memory_space<vmem>>) attributes {dimension_semantics = [], scalar_prefetch = 0 : i64, scratch_operands = 0 : i64, tpu.core_type = #tpu.core_type<tc>} {
    %iota3A = tpu.iota {dimensions = array<i32: 1>} : vector<1x2048xi32>
    %iota3A_0 = tpu.iota {dimensions = array<i32: 1>} : vector<1x384xi32>
    %iota3A_1 = tpu.iota {dimensions = array<i32: 0>} : vector<384x1xi32>
    %lt3A = vector.broadcast %iota3A_1 : vector<384x1xi32> to vector<384x384xi32>
    %lt3A_2 = vector.broadcast %iota3A_0 : vector<1x384xi32> to vector<384x384xi32>
    %lt3A_3 = arith.cmpi slt, %lt3A, %lt3A_2 : vector<384x384xi32>
    %convert_element_type3A = arith.extui %lt3A_3 : vector<384x384xi1> to vector<384x384xi32>
    %convert_element_type3A_4 = arith.sitofp %convert_element_type3A : vector<384x384xi32> to vector<384x384xf32>
    %get3A = arith.constant 0 : index
    %get3A_5 = arith.constant 0 : index
    %get3A_6 = arith.constant 0 : index
    %get3A_7 = vector.load %arg0[%get3A, %get3A_5, %get3A_6] : memref<2x1x2048xi32, #tpu.memory_space<vmem>>, vector<1x1x2048xi32>
    %get3A_8 = vector.shape_cast %get3A_7 : vector<1x1x2048xi32> to vector<1x2048xi32>
    %get3A_9 = arith.constant 0 : index
    %get3A_10 = arith.constant 0 : index
    %get3A_11 = arith.constant 0 : index
    %get3A_12 = vector.load %arg1[%get3A_9, %get3A_10, %get3A_11] : memref<2x2048x1xi32, #tpu.memory_space<vmem>>, vector<1x2048x1xi32>
    %get3A_13 = vector.shape_cast %get3A_12 : vector<1x2048x1xi32> to vector<2048x1xi32>
    %get3A_14 = arith.constant 0 : index
    %get3A_15 = arith.constant 0 : index
    %get3A_16 = arith.constant 0 : index
    %get3A_17 = vector.load %arg2[%get3A_14, %get3A_15, %get3A_16] : memref<2x1x2048xf32, #tpu.memory_space<vmem>>, vector<1x1x2048xf32>
    %get3A_18 = vector.shape_cast %get3A_17 : vector<1x1x2048xf32> to vector<1x2048xf32>
    %get3A_19 = arith.constant 0 : index
    %get3A_20 = arith.constant 0 : index
    %get3A_21 = arith.constant 0 : index
    %get3A_22 = vector.load %arg3[%get3A_19, %get3A_20, %get3A_21] : memref<2x2048x1xf32, #tpu.memory_space<vmem>>, vector<1x2048x1xf32>
    %get3A_23 = vector.shape_cast %get3A_22 : vector<1x2048x1xf32> to vector<2048x1xf32>
    %get3A_24 = arith.constant 0 : index
    %get3A_25 = arith.constant 0 : index
    %get3A_26 = arith.constant 0 : index
    %get3A_27 = vector.load %arg4[%get3A_24, %get3A_25, %get3A_26] : memref<2x2048x1xf32, #tpu.memory_space<vmem>>, vector<1x2048x1xf32>
    %get3A_28 = vector.shape_cast %get3A_27 : vector<1x2048x1xf32> to vector<2048x1xf32>
    %lt3A_29 = arith.constant 0.899999976 : f32
    %lt3A_30 = vector.broadcast %lt3A_29 : f32 to vector<2048x1xf32>
    %lt3A_31 = arith.cmpf olt, %get3A_28, %lt3A_30 : vector<2048x1xf32>
    %ne3A = arith.constant 0 : i32
    %ne3A_32 = vector.broadcast %ne3A : i32 to vector<1x2048xi32>
    %ne3A_33 = arith.cmpi ne, %get3A_8, %ne3A_32 : vector<1x2048xi32>
    %ne3A_34 = arith.constant 0 : i32
    %ne3A_35 = vector.broadcast %ne3A_34 : i32 to vector<2048x1xi32>
    %ne3A_36 = arith.cmpi ne, %get3A_13, %ne3A_35 : vector<2048x1xi32>
    %jit3A = arith.constant -1.000000e+09 : f32
    %broadcast_in_dim3A = vector.broadcast %jit3A : f32 to vector<1x2048xf32>
    %select_n3A = arith.select %ne3A_33, %get3A_18, %broadcast_in_dim3A : vector<1x2048xi1>, vector<1x2048xf32>
    %jit3A_37 = arith.constant -1.000000e+09 : f32
    %broadcast_in_dim3A_38 = vector.broadcast %jit3A_37 : f32 to vector<2048x1xf32>
    %select_n3A_39 = arith.select %ne3A_36, %get3A_23, %broadcast_in_dim3A_38 : vector<2048x1xi1>, vector<2048x1xf32>
    %convert_element_type3A_40 = arith.extui %ne3A_33 : vector<1x2048xi1> to vector<1x2048xi32>
    %reduce_sum3A = vector.shape_cast %convert_element_type3A_40 : vector<1x2048xi32> to vector<1x1x2048xi32>
    %reduce_sum3A_41 = arith.constant dense<0> : vector<1xi32>
    %reduce_sum3A_42 = vector.multi_reduction <add>, %reduce_sum3A, %reduce_sum3A_41 [1, 2] : vector<1x1x2048xi32> to vector<1xi32>
    %reduce_sum3A_43 = vector.shape_cast %reduce_sum3A_42 : vector<1xi32> to vector<1x1x1xi32>
    %reduce_sum3A_44 = vector.extract %reduce_sum3A_43[0, 0, 0] : i32 from vector<1x1x1xi32>
    %convert_element_type3A_45 = arith.sitofp %reduce_sum3A_44 : i32 to f32
    %mul3A = arith.constant 1.500000e-01 : f32
    %mul3A_46 = arith.mulf %convert_element_type3A_45, %mul3A : f32
    %ceil3A = math.ceil %mul3A_46 : f32
    %le3A = vector.broadcast %iota3A : vector<1x2048xi32> to vector<384x2048xi32>
    %le3A_47 = vector.broadcast %iota3A_1 : vector<384x1xi32> to vector<384x2048xi32>
    %le3A_48 = arith.cmpi sle, %le3A, %le3A_47 : vector<384x2048xi32>
    %and3A = vector.broadcast %ne3A_33 : vector<1x2048xi1> to vector<384x2048xi1>
    %and3A_49 = arith.andi %le3A_48, %and3A : vector<384x2048xi1>
    %convert_element_type3A_50 = arith.extui %and3A_49 : vector<384x2048xi1> to vector<384x2048xi32>
    %reduce_sum3A_51 = arith.constant dense<0> : vector<384xi32>
    %reduce_sum3A_52 = vector.multi_reduction <add>, %convert_element_type3A_50, %reduce_sum3A_51 [1] : vector<384x2048xi32> to vector<384xi32>
    %broadcast_in_dim3A_53 = vector.shape_cast %reduce_sum3A_52 : vector<384xi32> to vector<384x1xi32>
    %convert_element_type3A_54 = arith.sitofp %broadcast_in_dim3A_53 : vector<384x1xi32> to vector<384x1xf32>
    %le3A_55 = vector.broadcast %ceil3A : f32 to vector<384x1xf32>
    %le3A_56 = arith.cmpf ole, %convert_element_type3A_54, %le3A_55 : vector<384x1xf32>
    %lt3A_57 = arith.constant 308 : i32
    %lt3A_58 = vector.broadcast %lt3A_57 : i32 to vector<384x1xi32>
    %lt3A_59 = arith.cmpi slt, %iota3A_1, %lt3A_58 : vector<384x1xi32>
    %and3A_60 = arith.andi %le3A_56, %lt3A_59 : vector<384x1xi1>
    %convert_element_type3A_61 = arith.extui %and3A_60 : vector<384x1xi1> to vector<384x1xi32>
    %reduce_sum3A_62 = vector.shape_cast %convert_element_type3A_61 : vector<384x1xi32> to vector<1x384x1xi32>
    %reduce_sum3A_63 = arith.constant dense<0> : vector<1xi32>
    %reduce_sum3A_64 = vector.multi_reduction <add>, %reduce_sum3A_62, %reduce_sum3A_63 [1, 2] : vector<1x384x1xi32> to vector<1xi32>
    %reduce_sum3A_65 = vector.shape_cast %reduce_sum3A_64 : vector<1xi32> to vector<1x1x1xi32>
    %reduce_sum3A_66 = vector.extract %reduce_sum3A_65[0, 0, 0] : i32 from vector<1x1x1xi32>
    %broadcast_in_dim3A_67 = arith.constant 0 : i32
    %broadcast_in_dim3A_68 = vector.broadcast %broadcast_in_dim3A_67 : i32 to vector<1x384xi32>
    %broadcast_in_dim3A_69 = arith.constant 0 : i32
    %broadcast_in_dim3A_70 = vector.broadcast %broadcast_in_dim3A_69 : i32 to vector<1x384xi32>
    %slice3A = vector.extract_strided_slice %select_n3A_39 {offsets = [0, 0], sizes = [256, 1], strides = [1, 1]} : vector<2048x1xf32> to vector<256x1xf32>
    %iota3A_71 = tpu.iota {dimensions = array<i32: 0>} : vector<256x1xi32>
    %add3A = arith.constant 0 : i32
    %add3A_72 = vector.broadcast %add3A : i32 to vector<256x1xi32>
    %add3A_73 = arith.addi %iota3A_71, %add3A_72 : vector<256x1xi32>
    %gt3A = vector.broadcast %select_n3A : vector<1x2048xf32> to vector<256x2048xf32>
    %gt3A_74 = vector.broadcast %slice3A : vector<256x1xf32> to vector<256x2048xf32>
    %gt3A_75 = arith.cmpf ogt, %gt3A, %gt3A_74 : vector<256x2048xf32>
    %eq3A = vector.broadcast %select_n3A : vector<1x2048xf32> to vector<256x2048xf32>
    %eq3A_76 = vector.broadcast %slice3A : vector<256x1xf32> to vector<256x2048xf32>
    %eq3A_77 = arith.cmpf oeq, %eq3A, %eq3A_76 : vector<256x2048xf32>
    %lt3A_78 = vector.broadcast %iota3A : vector<1x2048xi32> to vector<256x2048xi32>
    %lt3A_79 = vector.broadcast %add3A_73 : vector<256x1xi32> to vector<256x2048xi32>
    %lt3A_80 = arith.cmpi slt, %lt3A_78, %lt3A_79 : vector<256x2048xi32>
    %and3A_81 = arith.andi %eq3A_77, %lt3A_80 : vector<256x2048xi1>
    %or3A = arith.ori %gt3A_75, %and3A_81 : vector<256x2048xi1>
    %convert_element_type3A_82 = arith.extui %or3A : vector<256x2048xi1> to vector<256x2048xi32>
    %reduce_sum3A_83 = arith.constant dense<0> : vector<256xi32>
    %reduce_sum3A_84 = vector.multi_reduction <add>, %convert_element_type3A_82, %reduce_sum3A_83 [1] : vector<256x2048xi32> to vector<256xi32>
    %broadcast_in_dim3A_85 = vector.shape_cast %reduce_sum3A_84 : vector<256xi32> to vector<256x1xi32>
    %lt3A_86 = vector.broadcast %reduce_sum3A_66 : i32 to vector<256x1xi32>
    %lt3A_87 = arith.cmpi slt, %broadcast_in_dim3A_85, %lt3A_86 : vector<256x1xi32>
    %slice3A_88 = vector.extract_strided_slice %lt3A_31 {offsets = [0, 0], sizes = [256, 1], strides = [1, 1]} : vector<2048x1xi1> to vector<256x1xi1>
    %not3A = arith.constant dense<true> : vector<256x1xi1>
    %not3A_89 = arith.xori %slice3A_88, %not3A : vector<256x1xi1>
    %and3A_90 = arith.andi %lt3A_87, %not3A_89 : vector<256x1xi1>
    %convert_element_type3A_91 = arith.extui %and3A_90 : vector<256x1xi1> to vector<256x1xi32>
    %eq3A_92 = vector.broadcast %broadcast_in_dim3A_85 : vector<256x1xi32> to vector<256x384xi32>
    %eq3A_93 = vector.broadcast %iota3A_0 : vector<1x384xi32> to vector<256x384xi32>
    %eq3A_94 = arith.cmpi eq, %eq3A_92, %eq3A_93 : vector<256x384xi32>
    %convert_element_type3A_95 = arith.extui %eq3A_94 : vector<256x384xi1> to vector<256x384xi32>
    %slice3A_96 = vector.extract_strided_slice %get3A_13 {offsets = [0, 0], sizes = [256, 1], strides = [1, 1]} : vector<2048x1xi32> to vector<256x1xi32>
    %mul3A_97 = vector.broadcast %slice3A_96 : vector<256x1xi32> to vector<256x384xi32>
    %mul3A_98 = arith.muli %convert_element_type3A_95, %mul3A_97 : vector<256x384xi32>
    %reduce_sum3A_99 = arith.constant dense<0> : vector<384xi32>
    %reduce_sum3A_100 = vector.multi_reduction <add>, %mul3A_98, %reduce_sum3A_99 [0] : vector<256x384xi32> to vector<384xi32>
    %broadcast_in_dim3A_101 = vector.shape_cast %reduce_sum3A_100 : vector<384xi32> to vector<1x384xi32>
    %add3A_102 = arith.addi %broadcast_in_dim3A_68, %broadcast_in_dim3A_101 : vector<1x384xi32>
    %mul3A_103 = vector.broadcast %convert_element_type3A_91 : vector<256x1xi32> to vector<256x384xi32>
    %mul3A_104 = arith.muli %convert_element_type3A_95, %mul3A_103 : vector<256x384xi32>
    %reduce_sum3A_105 = arith.constant dense<0> : vector<384xi32>
    %reduce_sum3A_106 = vector.multi_reduction <add>, %mul3A_104, %reduce_sum3A_105 [0] : vector<256x384xi32> to vector<384xi32>
    %broadcast_in_dim3A_107 = vector.shape_cast %reduce_sum3A_106 : vector<384xi32> to vector<1x384xi32>
    %add3A_108 = arith.addi %broadcast_in_dim3A_70, %broadcast_in_dim3A_107 : vector<1x384xi32>
    %slice3A_109 = vector.extract_strided_slice %select_n3A_39 {offsets = [256, 0], sizes = [256, 1], strides = [1, 1]} : vector<2048x1xf32> to vector<256x1xf32>
    %iota3A_110 = tpu.iota {dimensions = array<i32: 0>} : vector<256x1xi32>
    %add3A_111 = arith.constant 256 : i32
    %add3A_112 = vector.broadcast %add3A_111 : i32 to vector<256x1xi32>
    %add3A_113 = arith.addi %iota3A_110, %add3A_112 : vector<256x1xi32>
    %gt3A_114 = vector.broadcast %select_n3A : vector<1x2048xf32> to vector<256x2048xf32>
    %gt3A_115 = vector.broadcast %slice3A_109 : vector<256x1xf32> to vector<256x2048xf32>
    %gt3A_116 = arith.cmpf ogt, %gt3A_114, %gt3A_115 : vector<256x2048xf32>
    %eq3A_117 = vector.broadcast %select_n3A : vector<1x2048xf32> to vector<256x2048xf32>
    %eq3A_118 = vector.broadcast %slice3A_109 : vector<256x1xf32> to vector<256x2048xf32>
    %eq3A_119 = arith.cmpf oeq, %eq3A_117, %eq3A_118 : vector<256x2048xf32>
    %lt3A_120 = vector.broadcast %iota3A : vector<1x2048xi32> to vector<256x2048xi32>
    %lt3A_121 = vector.broadcast %add3A_113 : vector<256x1xi32> to vector<256x2048xi32>
    %lt3A_122 = arith.cmpi slt, %lt3A_120, %lt3A_121 : vector<256x2048xi32>
    %and3A_123 = arith.andi %eq3A_119, %lt3A_122 : vector<256x2048xi1>
    %or3A_124 = arith.ori %gt3A_116, %and3A_123 : vector<256x2048xi1>
    %convert_element_type3A_125 = arith.extui %or3A_124 : vector<256x2048xi1> to vector<256x2048xi32>
    %reduce_sum3A_126 = arith.constant dense<0> : vector<256xi32>
    %reduce_sum3A_127 = vector.multi_reduction <add>, %convert_element_type3A_125, %reduce_sum3A_126 [1] : vector<256x2048xi32> to vector<256xi32>
    %broadcast_in_dim3A_128 = vector.shape_cast %reduce_sum3A_127 : vector<256xi32> to vector<256x1xi32>
    %lt3A_129 = vector.broadcast %reduce_sum3A_66 : i32 to vector<256x1xi32>
    %lt3A_130 = arith.cmpi slt, %broadcast_in_dim3A_128, %lt3A_129 : vector<256x1xi32>
    %slice3A_131 = vector.extract_strided_slice %lt3A_31 {offsets = [256, 0], sizes = [256, 1], strides = [1, 1]} : vector<2048x1xi1> to vector<256x1xi1>
    %not3A_132 = arith.constant dense<true> : vector<256x1xi1>
    %not3A_133 = arith.xori %slice3A_131, %not3A_132 : vector<256x1xi1>
    %and3A_134 = arith.andi %lt3A_130, %not3A_133 : vector<256x1xi1>
    %convert_element_type3A_135 = arith.extui %and3A_134 : vector<256x1xi1> to vector<256x1xi32>
    %eq3A_136 = vector.broadcast %broadcast_in_dim3A_128 : vector<256x1xi32> to vector<256x384xi32>
    %eq3A_137 = vector.broadcast %iota3A_0 : vector<1x384xi32> to vector<256x384xi32>
    %eq3A_138 = arith.cmpi eq, %eq3A_136, %eq3A_137 : vector<256x384xi32>
    %convert_element_type3A_139 = arith.extui %eq3A_138 : vector<256x384xi1> to vector<256x384xi32>
    %slice3A_140 = vector.extract_strided_slice %get3A_13 {offsets = [256, 0], sizes = [256, 1], strides = [1, 1]} : vector<2048x1xi32> to vector<256x1xi32>
    %mul3A_141 = vector.broadcast %slice3A_140 : vector<256x1xi32> to vector<256x384xi32>
    %mul3A_142 = arith.muli %convert_element_type3A_139, %mul3A_141 : vector<256x384xi32>
    %reduce_sum3A_143 = arith.constant dense<0> : vector<384xi32>
    %reduce_sum3A_144 = vector.multi_reduction <add>, %mul3A_142, %reduce_sum3A_143 [0] : vector<256x384xi32> to vector<384xi32>
    %broadcast_in_dim3A_145 = vector.shape_cast %reduce_sum3A_144 : vector<384xi32> to vector<1x384xi32>
    %add3A_146 = arith.addi %add3A_102, %broadcast_in_dim3A_145 : vector<1x384xi32>
    %mul3A_147 = vector.broadcast %convert_element_type3A_135 : vector<256x1xi32> to vector<256x384xi32>
    %mul3A_148 = arith.muli %convert_element_type3A_139, %mul3A_147 : vector<256x384xi32>
    %reduce_sum3A_149 = arith.constant dense<0> : vector<384xi32>
    %reduce_sum3A_150 = vector.multi_reduction <add>, %mul3A_148, %reduce_sum3A_149 [0] : vector<256x384xi32> to vector<384xi32>
    %broadcast_in_dim3A_151 = vector.shape_cast %reduce_sum3A_150 : vector<384xi32> to vector<1x384xi32>
    %add3A_152 = arith.addi %add3A_108, %broadcast_in_dim3A_151 : vector<1x384xi32>
    %slice3A_153 = vector.extract_strided_slice %select_n3A_39 {offsets = [512, 0], sizes = [256, 1], strides = [1, 1]} : vector<2048x1xf32> to vector<256x1xf32>
    %iota3A_154 = tpu.iota {dimensions = array<i32: 0>} : vector<256x1xi32>
    %add3A_155 = arith.constant 512 : i32
    %add3A_156 = vector.broadcast %add3A_155 : i32 to vector<256x1xi32>
    %add3A_157 = arith.addi %iota3A_154, %add3A_156 : vector<256x1xi32>
    %gt3A_158 = vector.broadcast %select_n3A : vector<1x2048xf32> to vector<256x2048xf32>
    %gt3A_159 = vector.broadcast %slice3A_153 : vector<256x1xf32> to vector<256x2048xf32>
    %gt3A_160 = arith.cmpf ogt, %gt3A_158, %gt3A_159 : vector<256x2048xf32>
    %eq3A_161 = vector.broadcast %select_n3A : vector<1x2048xf32> to vector<256x2048xf32>
    %eq3A_162 = vector.broadcast %slice3A_153 : vector<256x1xf32> to vector<256x2048xf32>
    %eq3A_163 = arith.cmpf oeq, %eq3A_161, %eq3A_162 : vector<256x2048xf32>
    %lt3A_164 = vector.broadcast %iota3A : vector<1x2048xi32> to vector<256x2048xi32>
    %lt3A_165 = vector.broadcast %add3A_157 : vector<256x1xi32> to vector<256x2048xi32>
    %lt3A_166 = arith.cmpi slt, %lt3A_164, %lt3A_165 : vector<256x2048xi32>
    %and3A_167 = arith.andi %eq3A_163, %lt3A_166 : vector<256x2048xi1>
    %or3A_168 = arith.ori %gt3A_160, %and3A_167 : vector<256x2048xi1>
    %convert_element_type3A_169 = arith.extui %or3A_168 : vector<256x2048xi1> to vector<256x2048xi32>
    %reduce_sum3A_170 = arith.constant dense<0> : vector<256xi32>
    %reduce_sum3A_171 = vector.multi_reduction <add>, %convert_element_type3A_169, %reduce_sum3A_170 [1] : vector<256x2048xi32> to vector<256xi32>
    %broadcast_in_dim3A_172 = vector.shape_cast %reduce_sum3A_171 : vector<256xi32> to vector<256x1xi32>
    %lt3A_173 = vector.broadcast %reduce_sum3A_66 : i32 to vector<256x1xi32>
    %lt3A_174 = arith.cmpi slt, %broadcast_in_dim3A_172, %lt3A_173 : vector<256x1xi32>
    %slice3A_175 = vector.extract_strided_slice %lt3A_31 {offsets = [512, 0], sizes = [256, 1], strides = [1, 1]} : vector<2048x1xi1> to vector<256x1xi1>
    %not3A_176 = arith.constant dense<true> : vector<256x1xi1>
    %not3A_177 = arith.xori %slice3A_175, %not3A_176 : vector<256x1xi1>
    %and3A_178 = arith.andi %lt3A_174, %not3A_177 : vector<256x1xi1>
    %convert_element_type3A_179 = arith.extui %and3A_178 : vector<256x1xi1> to vector<256x1xi32>
    %eq3A_180 = vector.broadcast %broadcast_in_dim3A_172 : vector<256x1xi32> to vector<256x384xi32>
    %eq3A_181 = vector.broadcast %iota3A_0 : vector<1x384xi32> to vector<256x384xi32>
    %eq3A_182 = arith.cmpi eq, %eq3A_180, %eq3A_181 : vector<256x384xi32>
    %convert_element_type3A_183 = arith.extui %eq3A_182 : vector<256x384xi1> to vector<256x384xi32>
    %slice3A_184 = vector.extract_strided_slice %get3A_13 {offsets = [512, 0], sizes = [256, 1], strides = [1, 1]} : vector<2048x1xi32> to vector<256x1xi32>
    %mul3A_185 = vector.broadcast %slice3A_184 : vector<256x1xi32> to vector<256x384xi32>
    %mul3A_186 = arith.muli %convert_element_type3A_183, %mul3A_185 : vector<256x384xi32>
    %reduce_sum3A_187 = arith.constant dense<0> : vector<384xi32>
    %reduce_sum3A_188 = vector.multi_reduction <add>, %mul3A_186, %reduce_sum3A_187 [0] : vector<256x384xi32> to vector<384xi32>
    %broadcast_in_dim3A_189 = vector.shape_cast %reduce_sum3A_188 : vector<384xi32> to vector<1x384xi32>
    %add3A_190 = arith.addi %add3A_146, %broadcast_in_dim3A_189 : vector<1x384xi32>
    %mul3A_191 = vector.broadcast %convert_element_type3A_179 : vector<256x1xi32> to vector<256x384xi32>
    %mul3A_192 = arith.muli %convert_element_type3A_183, %mul3A_191 : vector<256x384xi32>
    %reduce_sum3A_193 = arith.constant dense<0> : vector<384xi32>
    %reduce_sum3A_194 = vector.multi_reduction <add>, %mul3A_192, %reduce_sum3A_193 [0] : vector<256x384xi32> to vector<384xi32>
    %broadcast_in_dim3A_195 = vector.shape_cast %reduce_sum3A_194 : vector<384xi32> to vector<1x384xi32>
    %add3A_196 = arith.addi %add3A_152, %broadcast_in_dim3A_195 : vector<1x384xi32>
    %slice3A_197 = vector.extract_strided_slice %select_n3A_39 {offsets = [768, 0], sizes = [256, 1], strides = [1, 1]} : vector<2048x1xf32> to vector<256x1xf32>
    %iota3A_198 = tpu.iota {dimensions = array<i32: 0>} : vector<256x1xi32>
    %add3A_199 = arith.constant 768 : i32
    %add3A_200 = vector.broadcast %add3A_199 : i32 to vector<256x1xi32>
    %add3A_201 = arith.addi %iota3A_198, %add3A_200 : vector<256x1xi32>
    %gt3A_202 = vector.broadcast %select_n3A : vector<1x2048xf32> to vector<256x2048xf32>
    %gt3A_203 = vector.broadcast %slice3A_197 : vector<256x1xf32> to vector<256x2048xf32>
    %gt3A_204 = arith.cmpf ogt, %gt3A_202, %gt3A_203 : vector<256x2048xf32>
    %eq3A_205 = vector.broadcast %select_n3A : vector<1x2048xf32> to vector<256x2048xf32>
    %eq3A_206 = vector.broadcast %slice3A_197 : vector<256x1xf32> to vector<256x2048xf32>
    %eq3A_207 = arith.cmpf oeq, %eq3A_205, %eq3A_206 : vector<256x2048xf32>
    %lt3A_208 = vector.broadcast %iota3A : vector<1x2048xi32> to vector<256x2048xi32>
    %lt3A_209 = vector.broadcast %add3A_201 : vector<256x1xi32> to vector<256x2048xi32>
    %lt3A_210 = arith.cmpi slt, %lt3A_208, %lt3A_209 : vector<256x2048xi32>
    %and3A_211 = arith.andi %eq3A_207, %lt3A_210 : vector<256x2048xi1>
    %or3A_212 = arith.ori %gt3A_204, %and3A_211 : vector<256x2048xi1>
    %convert_element_type3A_213 = arith.extui %or3A_212 : vector<256x2048xi1> to vector<256x2048xi32>
    %reduce_sum3A_214 = arith.constant dense<0> : vector<256xi32>
    %reduce_sum3A_215 = vector.multi_reduction <add>, %convert_element_type3A_213, %reduce_sum3A_214 [1] : vector<256x2048xi32> to vector<256xi32>
    %broadcast_in_dim3A_216 = vector.shape_cast %reduce_sum3A_215 : vector<256xi32> to vector<256x1xi32>
    %lt3A_217 = vector.broadcast %reduce_sum3A_66 : i32 to vector<256x1xi32>
    %lt3A_218 = arith.cmpi slt, %broadcast_in_dim3A_216, %lt3A_217 : vector<256x1xi32>
    %slice3A_219 = vector.extract_strided_slice %lt3A_31 {offsets = [768, 0], sizes = [256, 1], strides = [1, 1]} : vector<2048x1xi1> to vector<256x1xi1>
    %not3A_220 = arith.constant dense<true> : vector<256x1xi1>
    %not3A_221 = arith.xori %slice3A_219, %not3A_220 : vector<256x1xi1>
    %and3A_222 = arith.andi %lt3A_218, %not3A_221 : vector<256x1xi1>
    %convert_element_type3A_223 = arith.extui %and3A_222 : vector<256x1xi1> to vector<256x1xi32>
    %eq3A_224 = vector.broadcast %broadcast_in_dim3A_216 : vector<256x1xi32> to vector<256x384xi32>
    %eq3A_225 = vector.broadcast %iota3A_0 : vector<1x384xi32> to vector<256x384xi32>
    %eq3A_226 = arith.cmpi eq, %eq3A_224, %eq3A_225 : vector<256x384xi32>
    %convert_element_type3A_227 = arith.extui %eq3A_226 : vector<256x384xi1> to vector<256x384xi32>
    %slice3A_228 = vector.extract_strided_slice %get3A_13 {offsets = [768, 0], sizes = [256, 1], strides = [1, 1]} : vector<2048x1xi32> to vector<256x1xi32>
    %mul3A_229 = vector.broadcast %slice3A_228 : vector<256x1xi32> to vector<256x384xi32>
    %mul3A_230 = arith.muli %convert_element_type3A_227, %mul3A_229 : vector<256x384xi32>
    %reduce_sum3A_231 = arith.constant dense<0> : vector<384xi32>
    %reduce_sum3A_232 = vector.multi_reduction <add>, %mul3A_230, %reduce_sum3A_231 [0] : vector<256x384xi32> to vector<384xi32>
    %broadcast_in_dim3A_233 = vector.shape_cast %reduce_sum3A_232 : vector<384xi32> to vector<1x384xi32>
    %add3A_234 = arith.addi %add3A_190, %broadcast_in_dim3A_233 : vector<1x384xi32>
    %mul3A_235 = vector.broadcast %convert_element_type3A_223 : vector<256x1xi32> to vector<256x384xi32>
    %mul3A_236 = arith.muli %convert_element_type3A_227, %mul3A_235 : vector<256x384xi32>
    %reduce_sum3A_237 = arith.constant dense<0> : vector<384xi32>
    %reduce_sum3A_238 = vector.multi_reduction <add>, %mul3A_236, %reduce_sum3A_237 [0] : vector<256x384xi32> to vector<384xi32>
    %broadcast_in_dim3A_239 = vector.shape_cast %reduce_sum3A_238 : vector<384xi32> to vector<1x384xi32>
    %add3A_240 = arith.addi %add3A_196, %broadcast_in_dim3A_239 : vector<1x384xi32>
    %slice3A_241 = vector.extract_strided_slice %select_n3A_39 {offsets = [1024, 0], sizes = [256, 1], strides = [1, 1]} : vector<2048x1xf32> to vector<256x1xf32>
    %iota3A_242 = tpu.iota {dimensions = array<i32: 0>} : vector<256x1xi32>
    %add3A_243 = arith.constant 1024 : i32
    %add3A_244 = vector.broadcast %add3A_243 : i32 to vector<256x1xi32>
    %add3A_245 = arith.addi %iota3A_242, %add3A_244 : vector<256x1xi32>
    %gt3A_246 = vector.broadcast %select_n3A : vector<1x2048xf32> to vector<256x2048xf32>
    %gt3A_247 = vector.broadcast %slice3A_241 : vector<256x1xf32> to vector<256x2048xf32>
    %gt3A_248 = arith.cmpf ogt, %gt3A_246, %gt3A_247 : vector<256x2048xf32>
    %eq3A_249 = vector.broadcast %select_n3A : vector<1x2048xf32> to vector<256x2048xf32>
    %eq3A_250 = vector.broadcast %slice3A_241 : vector<256x1xf32> to vector<256x2048xf32>
    %eq3A_251 = arith.cmpf oeq, %eq3A_249, %eq3A_250 : vector<256x2048xf32>
    %lt3A_252 = vector.broadcast %iota3A : vector<1x2048xi32> to vector<256x2048xi32>
    %lt3A_253 = vector.broadcast %add3A_245 : vector<256x1xi32> to vector<256x2048xi32>
    %lt3A_254 = arith.cmpi slt, %lt3A_252, %lt3A_253 : vector<256x2048xi32>
    %and3A_255 = arith.andi %eq3A_251, %lt3A_254 : vector<256x2048xi1>
    %or3A_256 = arith.ori %gt3A_248, %and3A_255 : vector<256x2048xi1>
    %convert_element_type3A_257 = arith.extui %or3A_256 : vector<256x2048xi1> to vector<256x2048xi32>
    %reduce_sum3A_258 = arith.constant dense<0> : vector<256xi32>
    %reduce_sum3A_259 = vector.multi_reduction <add>, %convert_element_type3A_257, %reduce_sum3A_258 [1] : vector<256x2048xi32> to vector<256xi32>
    %broadcast_in_dim3A_260 = vector.shape_cast %reduce_sum3A_259 : vector<256xi32> to vector<256x1xi32>
    %lt3A_261 = vector.broadcast %reduce_sum3A_66 : i32 to vector<256x1xi32>
    %lt3A_262 = arith.cmpi slt, %broadcast_in_dim3A_260, %lt3A_261 : vector<256x1xi32>
    %slice3A_263 = vector.extract_strided_slice %lt3A_31 {offsets = [1024, 0], sizes = [256, 1], strides = [1, 1]} : vector<2048x1xi1> to vector<256x1xi1>
    %not3A_264 = arith.constant dense<true> : vector<256x1xi1>
    %not3A_265 = arith.xori %slice3A_263, %not3A_264 : vector<256x1xi1>
    %and3A_266 = arith.andi %lt3A_262, %not3A_265 : vector<256x1xi1>
    %convert_element_type3A_267 = arith.extui %and3A_266 : vector<256x1xi1> to vector<256x1xi32>
    %eq3A_268 = vector.broadcast %broadcast_in_dim3A_260 : vector<256x1xi32> to vector<256x384xi32>
    %eq3A_269 = vector.broadcast %iota3A_0 : vector<1x384xi32> to vector<256x384xi32>
    %eq3A_270 = arith.cmpi eq, %eq3A_268, %eq3A_269 : vector<256x384xi32>
    %convert_element_type3A_271 = arith.extui %eq3A_270 : vector<256x384xi1> to vector<256x384xi32>
    %slice3A_272 = vector.extract_strided_slice %get3A_13 {offsets = [1024, 0], sizes = [256, 1], strides = [1, 1]} : vector<2048x1xi32> to vector<256x1xi32>
    %mul3A_273 = vector.broadcast %slice3A_272 : vector<256x1xi32> to vector<256x384xi32>
    %mul3A_274 = arith.muli %convert_element_type3A_271, %mul3A_273 : vector<256x384xi32>
    %reduce_sum3A_275 = arith.constant dense<0> : vector<384xi32>
    %reduce_sum3A_276 = vector.multi_reduction <add>, %mul3A_274, %reduce_sum3A_275 [0] : vector<256x384xi32> to vector<384xi32>
    %broadcast_in_dim3A_277 = vector.shape_cast %reduce_sum3A_276 : vector<384xi32> to vector<1x384xi32>
    %add3A_278 = arith.addi %add3A_234, %broadcast_in_dim3A_277 : vector<1x384xi32>
    %mul3A_279 = vector.broadcast %convert_element_type3A_267 : vector<256x1xi32> to vector<256x384xi32>
    %mul3A_280 = arith.muli %convert_element_type3A_271, %mul3A_279 : vector<256x384xi32>
    %reduce_sum3A_281 = arith.constant dense<0> : vector<384xi32>
    %reduce_sum3A_282 = vector.multi_reduction <add>, %mul3A_280, %reduce_sum3A_281 [0] : vector<256x384xi32> to vector<384xi32>
    %broadcast_in_dim3A_283 = vector.shape_cast %reduce_sum3A_282 : vector<384xi32> to vector<1x384xi32>
    %add3A_284 = arith.addi %add3A_240, %broadcast_in_dim3A_283 : vector<1x384xi32>
    %slice3A_285 = vector.extract_strided_slice %select_n3A_39 {offsets = [1280, 0], sizes = [256, 1], strides = [1, 1]} : vector<2048x1xf32> to vector<256x1xf32>
    %iota3A_286 = tpu.iota {dimensions = array<i32: 0>} : vector<256x1xi32>
    %add3A_287 = arith.constant 1280 : i32
    %add3A_288 = vector.broadcast %add3A_287 : i32 to vector<256x1xi32>
    %add3A_289 = arith.addi %iota3A_286, %add3A_288 : vector<256x1xi32>
    %gt3A_290 = vector.broadcast %select_n3A : vector<1x2048xf32> to vector<256x2048xf32>
    %gt3A_291 = vector.broadcast %slice3A_285 : vector<256x1xf32> to vector<256x2048xf32>
    %gt3A_292 = arith.cmpf ogt, %gt3A_290, %gt3A_291 : vector<256x2048xf32>
    %eq3A_293 = vector.broadcast %select_n3A : vector<1x2048xf32> to vector<256x2048xf32>
    %eq3A_294 = vector.broadcast %slice3A_285 : vector<256x1xf32> to vector<256x2048xf32>
    %eq3A_295 = arith.cmpf oeq, %eq3A_293, %eq3A_294 : vector<256x2048xf32>
    %lt3A_296 = vector.broadcast %iota3A : vector<1x2048xi32> to vector<256x2048xi32>
    %lt3A_297 = vector.broadcast %add3A_289 : vector<256x1xi32> to vector<256x2048xi32>
    %lt3A_298 = arith.cmpi slt, %lt3A_296, %lt3A_297 : vector<256x2048xi32>
    %and3A_299 = arith.andi %eq3A_295, %lt3A_298 : vector<256x2048xi1>
    %or3A_300 = arith.ori %gt3A_292, %and3A_299 : vector<256x2048xi1>
    %convert_element_type3A_301 = arith.extui %or3A_300 : vector<256x2048xi1> to vector<256x2048xi32>
    %reduce_sum3A_302 = arith.constant dense<0> : vector<256xi32>
    %reduce_sum3A_303 = vector.multi_reduction <add>, %convert_element_type3A_301, %reduce_sum3A_302 [1] : vector<256x2048xi32> to vector<256xi32>
    %broadcast_in_dim3A_304 = vector.shape_cast %reduce_sum3A_303 : vector<256xi32> to vector<256x1xi32>
    %lt3A_305 = vector.broadcast %reduce_sum3A_66 : i32 to vector<256x1xi32>
    %lt3A_306 = arith.cmpi slt, %broadcast_in_dim3A_304, %lt3A_305 : vector<256x1xi32>
    %slice3A_307 = vector.extract_strided_slice %lt3A_31 {offsets = [1280, 0], sizes = [256, 1], strides = [1, 1]} : vector<2048x1xi1> to vector<256x1xi1>
    %not3A_308 = arith.constant dense<true> : vector<256x1xi1>
    %not3A_309 = arith.xori %slice3A_307, %not3A_308 : vector<256x1xi1>
    %and3A_310 = arith.andi %lt3A_306, %not3A_309 : vector<256x1xi1>
    %convert_element_type3A_311 = arith.extui %and3A_310 : vector<256x1xi1> to vector<256x1xi32>
    %eq3A_312 = vector.broadcast %broadcast_in_dim3A_304 : vector<256x1xi32> to vector<256x384xi32>
    %eq3A_313 = vector.broadcast %iota3A_0 : vector<1x384xi32> to vector<256x384xi32>
    %eq3A_314 = arith.cmpi eq, %eq3A_312, %eq3A_313 : vector<256x384xi32>
    %convert_element_type3A_315 = arith.extui %eq3A_314 : vector<256x384xi1> to vector<256x384xi32>
    %slice3A_316 = vector.extract_strided_slice %get3A_13 {offsets = [1280, 0], sizes = [256, 1], strides = [1, 1]} : vector<2048x1xi32> to vector<256x1xi32>
    %mul3A_317 = vector.broadcast %slice3A_316 : vector<256x1xi32> to vector<256x384xi32>
    %mul3A_318 = arith.muli %convert_element_type3A_315, %mul3A_317 : vector<256x384xi32>
    %reduce_sum3A_319 = arith.constant dense<0> : vector<384xi32>
    %reduce_sum3A_320 = vector.multi_reduction <add>, %mul3A_318, %reduce_sum3A_319 [0] : vector<256x384xi32> to vector<384xi32>
    %broadcast_in_dim3A_321 = vector.shape_cast %reduce_sum3A_320 : vector<384xi32> to vector<1x384xi32>
    %add3A_322 = arith.addi %add3A_278, %broadcast_in_dim3A_321 : vector<1x384xi32>
    %mul3A_323 = vector.broadcast %convert_element_type3A_311 : vector<256x1xi32> to vector<256x384xi32>
    %mul3A_324 = arith.muli %convert_element_type3A_315, %mul3A_323 : vector<256x384xi32>
    %reduce_sum3A_325 = arith.constant dense<0> : vector<384xi32>
    %reduce_sum3A_326 = vector.multi_reduction <add>, %mul3A_324, %reduce_sum3A_325 [0] : vector<256x384xi32> to vector<384xi32>
    %broadcast_in_dim3A_327 = vector.shape_cast %reduce_sum3A_326 : vector<384xi32> to vector<1x384xi32>
    %add3A_328 = arith.addi %add3A_284, %broadcast_in_dim3A_327 : vector<1x384xi32>
    %slice3A_329 = vector.extract_strided_slice %select_n3A_39 {offsets = [1536, 0], sizes = [256, 1], strides = [1, 1]} : vector<2048x1xf32> to vector<256x1xf32>
    %iota3A_330 = tpu.iota {dimensions = array<i32: 0>} : vector<256x1xi32>
    %add3A_331 = arith.constant 1536 : i32
    %add3A_332 = vector.broadcast %add3A_331 : i32 to vector<256x1xi32>
    %add3A_333 = arith.addi %iota3A_330, %add3A_332 : vector<256x1xi32>
    %gt3A_334 = vector.broadcast %select_n3A : vector<1x2048xf32> to vector<256x2048xf32>
    %gt3A_335 = vector.broadcast %slice3A_329 : vector<256x1xf32> to vector<256x2048xf32>
    %gt3A_336 = arith.cmpf ogt, %gt3A_334, %gt3A_335 : vector<256x2048xf32>
    %eq3A_337 = vector.broadcast %select_n3A : vector<1x2048xf32> to vector<256x2048xf32>
    %eq3A_338 = vector.broadcast %slice3A_329 : vector<256x1xf32> to vector<256x2048xf32>
    %eq3A_339 = arith.cmpf oeq, %eq3A_337, %eq3A_338 : vector<256x2048xf32>
    %lt3A_340 = vector.broadcast %iota3A : vector<1x2048xi32> to vector<256x2048xi32>
    %lt3A_341 = vector.broadcast %add3A_333 : vector<256x1xi32> to vector<256x2048xi32>
    %lt3A_342 = arith.cmpi slt, %lt3A_340, %lt3A_341 : vector<256x2048xi32>
    %and3A_343 = arith.andi %eq3A_339, %lt3A_342 : vector<256x2048xi1>
    %or3A_344 = arith.ori %gt3A_336, %and3A_343 : vector<256x2048xi1>
    %convert_element_type3A_345 = arith.extui %or3A_344 : vector<256x2048xi1> to vector<256x2048xi32>
    %reduce_sum3A_346 = arith.constant dense<0> : vector<256xi32>
    %reduce_sum3A_347 = vector.multi_reduction <add>, %convert_element_type3A_345, %reduce_sum3A_346 [1] : vector<256x2048xi32> to vector<256xi32>
    %broadcast_in_dim3A_348 = vector.shape_cast %reduce_sum3A_347 : vector<256xi32> to vector<256x1xi32>
    %lt3A_349 = vector.broadcast %reduce_sum3A_66 : i32 to vector<256x1xi32>
    %lt3A_350 = arith.cmpi slt, %broadcast_in_dim3A_348, %lt3A_349 : vector<256x1xi32>
    %slice3A_351 = vector.extract_strided_slice %lt3A_31 {offsets = [1536, 0], sizes = [256, 1], strides = [1, 1]} : vector<2048x1xi1> to vector<256x1xi1>
    %not3A_352 = arith.constant dense<true> : vector<256x1xi1>
    %not3A_353 = arith.xori %slice3A_351, %not3A_352 : vector<256x1xi1>
    %and3A_354 = arith.andi %lt3A_350, %not3A_353 : vector<256x1xi1>
    %convert_element_type3A_355 = arith.extui %and3A_354 : vector<256x1xi1> to vector<256x1xi32>
    %eq3A_356 = vector.broadcast %broadcast_in_dim3A_348 : vector<256x1xi32> to vector<256x384xi32>
    %eq3A_357 = vector.broadcast %iota3A_0 : vector<1x384xi32> to vector<256x384xi32>
    %eq3A_358 = arith.cmpi eq, %eq3A_356, %eq3A_357 : vector<256x384xi32>
    %convert_element_type3A_359 = arith.extui %eq3A_358 : vector<256x384xi1> to vector<256x384xi32>
    %slice3A_360 = vector.extract_strided_slice %get3A_13 {offsets = [1536, 0], sizes = [256, 1], strides = [1, 1]} : vector<2048x1xi32> to vector<256x1xi32>
    %mul3A_361 = vector.broadcast %slice3A_360 : vector<256x1xi32> to vector<256x384xi32>
    %mul3A_362 = arith.muli %convert_element_type3A_359, %mul3A_361 : vector<256x384xi32>
    %reduce_sum3A_363 = arith.constant dense<0> : vector<384xi32>
    %reduce_sum3A_364 = vector.multi_reduction <add>, %mul3A_362, %reduce_sum3A_363 [0] : vector<256x384xi32> to vector<384xi32>
    %broadcast_in_dim3A_365 = vector.shape_cast %reduce_sum3A_364 : vector<384xi32> to vector<1x384xi32>
    %add3A_366 = arith.addi %add3A_322, %broadcast_in_dim3A_365 : vector<1x384xi32>
    %mul3A_367 = vector.broadcast %convert_element_type3A_355 : vector<256x1xi32> to vector<256x384xi32>
    %mul3A_368 = arith.muli %convert_element_type3A_359, %mul3A_367 : vector<256x384xi32>
    %reduce_sum3A_369 = arith.constant dense<0> : vector<384xi32>
    %reduce_sum3A_370 = vector.multi_reduction <add>, %mul3A_368, %reduce_sum3A_369 [0] : vector<256x384xi32> to vector<384xi32>
    %broadcast_in_dim3A_371 = vector.shape_cast %reduce_sum3A_370 : vector<384xi32> to vector<1x384xi32>
    %add3A_372 = arith.addi %add3A_328, %broadcast_in_dim3A_371 : vector<1x384xi32>
    %slice3A_373 = vector.extract_strided_slice %select_n3A_39 {offsets = [1792, 0], sizes = [256, 1], strides = [1, 1]} : vector<2048x1xf32> to vector<256x1xf32>
    %iota3A_374 = tpu.iota {dimensions = array<i32: 0>} : vector<256x1xi32>
    %add3A_375 = arith.constant 1792 : i32
    %add3A_376 = vector.broadcast %add3A_375 : i32 to vector<256x1xi32>
    %add3A_377 = arith.addi %iota3A_374, %add3A_376 : vector<256x1xi32>
    %gt3A_378 = vector.broadcast %select_n3A : vector<1x2048xf32> to vector<256x2048xf32>
    %gt3A_379 = vector.broadcast %slice3A_373 : vector<256x1xf32> to vector<256x2048xf32>
    %gt3A_380 = arith.cmpf ogt, %gt3A_378, %gt3A_379 : vector<256x2048xf32>
    %eq3A_381 = vector.broadcast %select_n3A : vector<1x2048xf32> to vector<256x2048xf32>
    %eq3A_382 = vector.broadcast %slice3A_373 : vector<256x1xf32> to vector<256x2048xf32>
    %eq3A_383 = arith.cmpf oeq, %eq3A_381, %eq3A_382 : vector<256x2048xf32>
    %lt3A_384 = vector.broadcast %iota3A : vector<1x2048xi32> to vector<256x2048xi32>
    %lt3A_385 = vector.broadcast %add3A_377 : vector<256x1xi32> to vector<256x2048xi32>
    %lt3A_386 = arith.cmpi slt, %lt3A_384, %lt3A_385 : vector<256x2048xi32>
    %and3A_387 = arith.andi %eq3A_383, %lt3A_386 : vector<256x2048xi1>
    %or3A_388 = arith.ori %gt3A_380, %and3A_387 : vector<256x2048xi1>
    %convert_element_type3A_389 = arith.extui %or3A_388 : vector<256x2048xi1> to vector<256x2048xi32>
    %reduce_sum3A_390 = arith.constant dense<0> : vector<256xi32>
    %reduce_sum3A_391 = vector.multi_reduction <add>, %convert_element_type3A_389, %reduce_sum3A_390 [1] : vector<256x2048xi32> to vector<256xi32>
    %broadcast_in_dim3A_392 = vector.shape_cast %reduce_sum3A_391 : vector<256xi32> to vector<256x1xi32>
    %lt3A_393 = vector.broadcast %reduce_sum3A_66 : i32 to vector<256x1xi32>
    %lt3A_394 = arith.cmpi slt, %broadcast_in_dim3A_392, %lt3A_393 : vector<256x1xi32>
    %slice3A_395 = vector.extract_strided_slice %lt3A_31 {offsets = [1792, 0], sizes = [256, 1], strides = [1, 1]} : vector<2048x1xi1> to vector<256x1xi1>
    %not3A_396 = arith.constant dense<true> : vector<256x1xi1>
    %not3A_397 = arith.xori %slice3A_395, %not3A_396 : vector<256x1xi1>
    %and3A_398 = arith.andi %lt3A_394, %not3A_397 : vector<256x1xi1>
    %convert_element_type3A_399 = arith.extui %and3A_398 : vector<256x1xi1> to vector<256x1xi32>
    %eq3A_400 = vector.broadcast %broadcast_in_dim3A_392 : vector<256x1xi32> to vector<256x384xi32>
    %eq3A_401 = vector.broadcast %iota3A_0 : vector<1x384xi32> to vector<256x384xi32>
    %eq3A_402 = arith.cmpi eq, %eq3A_400, %eq3A_401 : vector<256x384xi32>
    %convert_element_type3A_403 = arith.extui %eq3A_402 : vector<256x384xi1> to vector<256x384xi32>
    %slice3A_404 = vector.extract_strided_slice %get3A_13 {offsets = [1792, 0], sizes = [256, 1], strides = [1, 1]} : vector<2048x1xi32> to vector<256x1xi32>
    %mul3A_405 = vector.broadcast %slice3A_404 : vector<256x1xi32> to vector<256x384xi32>
    %mul3A_406 = arith.muli %convert_element_type3A_403, %mul3A_405 : vector<256x384xi32>
    %reduce_sum3A_407 = arith.constant dense<0> : vector<384xi32>
    %reduce_sum3A_408 = vector.multi_reduction <add>, %mul3A_406, %reduce_sum3A_407 [0] : vector<256x384xi32> to vector<384xi32>
    %broadcast_in_dim3A_409 = vector.shape_cast %reduce_sum3A_408 : vector<384xi32> to vector<1x384xi32>
    %add3A_410 = arith.addi %add3A_366, %broadcast_in_dim3A_409 : vector<1x384xi32>
    %mul3A_411 = vector.broadcast %convert_element_type3A_399 : vector<256x1xi32> to vector<256x384xi32>
    %mul3A_412 = arith.muli %convert_element_type3A_403, %mul3A_411 : vector<256x384xi32>
    %reduce_sum3A_413 = arith.constant dense<0> : vector<384xi32>
    %reduce_sum3A_414 = vector.multi_reduction <add>, %mul3A_412, %reduce_sum3A_413 [0] : vector<256x384xi32> to vector<384xi32>
    %broadcast_in_dim3A_415 = vector.shape_cast %reduce_sum3A_414 : vector<384xi32> to vector<1x384xi32>
    %add3A_416 = arith.addi %add3A_372, %broadcast_in_dim3A_415 : vector<1x384xi32>
    %lt3A_417 = vector.broadcast %reduce_sum3A_66 : i32 to vector<1x384xi32>
    %lt3A_418 = arith.cmpi slt, %iota3A_0, %lt3A_417 : vector<1x384xi32>
    %ne3A_419 = arith.constant 0 : i32
    %ne3A_420 = vector.broadcast %ne3A_419 : i32 to vector<1x384xi32>
    %ne3A_421 = arith.cmpi ne, %add3A_410, %ne3A_420 : vector<1x384xi32>
    %and3A_422 = arith.andi %lt3A_418, %ne3A_421 : vector<1x384xi1>
    %convert_element_type3A_423 = arith.sitofp %add3A_416 : vector<1x384xi32> to vector<1x384xf32>
    %dot_general3A = arith.constant dense<0.000000e+00> : vector<1x384xf32>
    %dot_general3A_424 = tpu.matmul %convert_element_type3A_423, %convert_element_type3A_4, %dot_general3A {dimension_numbers = #tpu.dot_dimension_numbers<[1], [0], [0], [1], [0, 0, 1, 1], [], []>, transpose_lhs_hint = false} : vector<1x384xf32>, vector<384x384xf32>, vector<1x384xf32> -> vector<1x384xf32>
    %convert_element_type3A_425 = arith.fptosi %dot_general3A_424 : vector<1x384xf32> to vector<1x384xi32>
    %eq3A_426 = arith.constant 1 : i32
    %eq3A_427 = vector.broadcast %eq3A_426 : i32 to vector<1x384xi32>
    %eq3A_428 = arith.cmpi eq, %add3A_416, %eq3A_427 : vector<1x384xi32>
    %add3A_429 = arith.constant 1 : i32
    %add3A_430 = vector.broadcast %add3A_429 : i32 to vector<1x384xi32>
    %add3A_431 = arith.addi %add3A_430, %convert_element_type3A_425 : vector<1x384xi32>
    %jit3A_432 = arith.constant 0 : i32
    %broadcast_in_dim3A_433 = vector.broadcast %jit3A_432 : i32 to vector<1x384xi32>
    %select_n3A_434 = arith.select %eq3A_428, %add3A_431, %broadcast_in_dim3A_433 : vector<1x384xi1>, vector<1x384xi32>
    %iota3A_435 = tpu.iota {dimensions = array<i32: 0>} : vector<232x1xi32>
    %eq3A_436 = vector.broadcast %iota3A_435 : vector<232x1xi32> to vector<232x384xi32>
    %eq3A_437 = vector.broadcast %convert_element_type3A_425 : vector<1x384xi32> to vector<232x384xi32>
    %eq3A_438 = arith.cmpi eq, %eq3A_436, %eq3A_437 : vector<232x384xi32>
    %eq3A_439 = arith.constant 1 : i32
    %eq3A_440 = vector.broadcast %eq3A_439 : i32 to vector<1x384xi32>
    %eq3A_441 = arith.cmpi eq, %add3A_416, %eq3A_440 : vector<1x384xi32>
    %and3A_442 = vector.broadcast %eq3A_441 : vector<1x384xi1> to vector<232x384xi1>
    %and3A_443 = arith.andi %eq3A_438, %and3A_442 : vector<232x384xi1>
    %convert_element_type3A_444 = arith.extui %and3A_443 : vector<232x384xi1> to vector<232x384xi32>
    %mul3A_445 = vector.broadcast %add3A_410 : vector<1x384xi32> to vector<232x384xi32>
    %mul3A_446 = arith.muli %convert_element_type3A_444, %mul3A_445 : vector<232x384xi32>
    %reduce_sum3A_447 = arith.constant dense<0> : vector<232xi32>
    %reduce_sum3A_448 = vector.multi_reduction <add>, %mul3A_446, %reduce_sum3A_447 [1] : vector<232x384xi32> to vector<232xi32>
    %broadcast_in_dim3A_449 = vector.shape_cast %reduce_sum3A_448 : vector<232xi32> to vector<232x1xi32>
    %reduce_sum3A_450 = vector.shape_cast %add3A_416 : vector<1x384xi32> to vector<1x1x384xi32>
    %reduce_sum3A_451 = arith.constant dense<0> : vector<1xi32>
    %reduce_sum3A_452 = vector.multi_reduction <add>, %reduce_sum3A_450, %reduce_sum3A_451 [1, 2] : vector<1x1x384xi32> to vector<1xi32>
    %reduce_sum3A_453 = vector.shape_cast %reduce_sum3A_452 : vector<1xi32> to vector<1x1x1xi32>
    %reduce_sum3A_454 = vector.extract %reduce_sum3A_453[0, 0, 0] : i32 from vector<1x1x1xi32>
    %lt3A_455 = vector.broadcast %reduce_sum3A_454 : i32 to vector<232x1xi32>
    %lt3A_456 = arith.cmpi slt, %iota3A_435, %lt3A_455 : vector<232x1xi32>
    %add3A_457 = arith.constant 3 : i32
    %add3A_458 = vector.broadcast %add3A_457 : i32 to vector<232x1xi32>
    %add3A_459 = arith.addi %iota3A_435, %add3A_458 : vector<232x1xi32>
    %select_n3A_460 = arith.select %lt3A_456, %broadcast_in_dim3A_449, %add3A_459 : vector<232x1xi1>, vector<232x1xi32>
    %swap3A = arith.constant 0 : index
    %swap3A_461 = arith.constant 0 : index
    %swap3A_462 = arith.constant 0 : index
    %swap3A_463 = vector.load %arg5[%swap3A, %swap3A_461, %swap3A_462] : memref<2x1x384xi32, #tpu.memory_space<vmem>>, vector<1x1x384xi32>
    %swap3A_464 = vector.shape_cast %swap3A_463 : vector<1x1x384xi32> to vector<1x384xi32>
    %swap3A_465 = vector.shape_cast %select_n3A_434 : vector<1x384xi32> to vector<1x1x384xi32>
    tpu.vector_store %arg5[%swap3A, %swap3A_461, %swap3A_462], %swap3A_465 {strides = array<i32>} : memref<2x1x384xi32, #tpu.memory_space<vmem>>, vector<1x1x384xi32>,
    %swap3A_466 = arith.constant 0 : index
    %swap3A_467 = arith.constant 0 : index
    %swap3A_468 = arith.constant 0 : index
    %swap3A_469 = vector.load %arg6[%swap3A_466, %swap3A_467, %swap3A_468] : memref<2x1x384xi32, #tpu.memory_space<vmem>>, vector<1x1x384xi32>
    %swap3A_470 = vector.shape_cast %swap3A_469 : vector<1x1x384xi32> to vector<1x384xi32>
    %swap3A_471 = vector.shape_cast %add3A_410 : vector<1x384xi32> to vector<1x1x384xi32>
    tpu.vector_store %arg6[%swap3A_466, %swap3A_467, %swap3A_468], %swap3A_471 {strides = array<i32>} : memref<2x1x384xi32, #tpu.memory_space<vmem>>, vector<1x1x384xi32>,
    %convert_element_type3A_472 = arith.extui %and3A_422 : vector<1x384xi1> to vector<1x384xi32>
    %convert_element_type3A_473 = arith.sitofp %convert_element_type3A_472 : vector<1x384xi32> to vector<1x384xf32>
    %swap3A_474 = arith.constant 0 : index
    %swap3A_475 = arith.constant 0 : index
    %swap3A_476 = arith.constant 0 : index
    %swap3A_477 = vector.load %arg7[%swap3A_474, %swap3A_475, %swap3A_476] : memref<2x1x384xf32, #tpu.memory_space<vmem>>, vector<1x1x384xf32>
    %swap3A_478 = vector.shape_cast %swap3A_477 : vector<1x1x384xf32> to vector<1x384xf32>
    %swap3A_479 = vector.shape_cast %convert_element_type3A_473 : vector<1x384xf32> to vector<1x1x384xf32>
    tpu.vector_store %arg7[%swap3A_474, %swap3A_475, %swap3A_476], %swap3A_479 {strides = array<i32>} : memref<2x1x384xf32, #tpu.memory_space<vmem>>, vector<1x1x384xf32>,
    %swap3A_480 = arith.constant 0 : index
    %swap3A_481 = arith.constant 0 : index
    %swap3A_482 = vector.load %arg8[%swap3A_480, %swap3A_481] : memref<232x1xi32, #tpu.memory_space<vmem>>, vector<232x1xi32>
    tpu.vector_store %arg8[%swap3A_480, %swap3A_481], %select_n3A_460 {strides = array<i32>} : memref<232x1xi32, #tpu.memory_space<vmem>>, vector<232x1xi32>,
    %get3A_483 = arith.constant 1 : index
    %get3A_484 = arith.constant 0 : index
    %get3A_485 = arith.constant 0 : index
    %get3A_486 = vector.load %arg0[%get3A_483, %get3A_484, %get3A_485] : memref<2x1x2048xi32, #tpu.memory_space<vmem>>, vector<1x1x2048xi32>
    %get3A_487 = vector.shape_cast %get3A_486 : vector<1x1x2048xi32> to vector<1x2048xi32>
    %get3A_488 = arith.constant 1 : index
    %get3A_489 = arith.constant 0 : index
    %get3A_490 = arith.constant 0 : index
    %get3A_491 = vector.load %arg1[%get3A_488, %get3A_489, %get3A_490] : memref<2x2048x1xi32, #tpu.memory_space<vmem>>, vector<1x2048x1xi32>
    %get3A_492 = vector.shape_cast %get3A_491 : vector<1x2048x1xi32> to vector<2048x1xi32>
    %get3A_493 = arith.constant 1 : index
    %get3A_494 = arith.constant 0 : index
    %get3A_495 = arith.constant 0 : index
    %get3A_496 = vector.load %arg2[%get3A_493, %get3A_494, %get3A_495] : memref<2x1x2048xf32, #tpu.memory_space<vmem>>, vector<1x1x2048xf32>
    %get3A_497 = vector.shape_cast %get3A_496 : vector<1x1x2048xf32> to vector<1x2048xf32>
    %get3A_498 = arith.constant 1 : index
    %get3A_499 = arith.constant 0 : index
    %get3A_500 = arith.constant 0 : index
    %get3A_501 = vector.load %arg3[%get3A_498, %get3A_499, %get3A_500] : memref<2x2048x1xf32, #tpu.memory_space<vmem>>, vector<1x2048x1xf32>
    %get3A_502 = vector.shape_cast %get3A_501 : vector<1x2048x1xf32> to vector<2048x1xf32>
    %get3A_503 = arith.constant 1 : index
    %get3A_504 = arith.constant 0 : index
    %get3A_505 = arith.constant 0 : index
    %get3A_506 = vector.load %arg4[%get3A_503, %get3A_504, %get3A_505] : memref<2x2048x1xf32, #tpu.memory_space<vmem>>, vector<1x2048x1xf32>
    %get3A_507 = vector.shape_cast %get3A_506 : vector<1x2048x1xf32> to vector<2048x1xf32>
    %lt3A_508 = arith.constant 0.899999976 : f32
    %lt3A_509 = vector.broadcast %lt3A_508 : f32 to vector<2048x1xf32>
    %lt3A_510 = arith.cmpf olt, %get3A_507, %lt3A_509 : vector<2048x1xf32>
    %ne3A_511 = arith.constant 0 : i32
    %ne3A_512 = vector.broadcast %ne3A_511 : i32 to vector<1x2048xi32>
    %ne3A_513 = arith.cmpi ne, %get3A_487, %ne3A_512 : vector<1x2048xi32>
    %ne3A_514 = arith.constant 0 : i32
    %ne3A_515 = vector.broadcast %ne3A_514 : i32 to vector<2048x1xi32>
    %ne3A_516 = arith.cmpi ne, %get3A_492, %ne3A_515 : vector<2048x1xi32>
    %jit3A_517 = arith.constant -1.000000e+09 : f32
    %broadcast_in_dim3A_518 = vector.broadcast %jit3A_517 : f32 to vector<1x2048xf32>
    %select_n3A_519 = arith.select %ne3A_513, %get3A_497, %broadcast_in_dim3A_518 : vector<1x2048xi1>, vector<1x2048xf32>
    %jit3A_520 = arith.constant -1.000000e+09 : f32
    %broadcast_in_dim3A_521 = vector.broadcast %jit3A_520 : f32 to vector<2048x1xf32>
    %select_n3A_522 = arith.select %ne3A_516, %get3A_502, %broadcast_in_dim3A_521 : vector<2048x1xi1>, vector<2048x1xf32>
    %convert_element_type3A_523 = arith.extui %ne3A_513 : vector<1x2048xi1> to vector<1x2048xi32>
    %reduce_sum3A_524 = vector.shape_cast %convert_element_type3A_523 : vector<1x2048xi32> to vector<1x1x2048xi32>
    %reduce_sum3A_525 = arith.constant dense<0> : vector<1xi32>
    %reduce_sum3A_526 = vector.multi_reduction <add>, %reduce_sum3A_524, %reduce_sum3A_525 [1, 2] : vector<1x1x2048xi32> to vector<1xi32>
    %reduce_sum3A_527 = vector.shape_cast %reduce_sum3A_526 : vector<1xi32> to vector<1x1x1xi32>
    %reduce_sum3A_528 = vector.extract %reduce_sum3A_527[0, 0, 0] : i32 from vector<1x1x1xi32>
    %convert_element_type3A_529 = arith.sitofp %reduce_sum3A_528 : i32 to f32
    %mul3A_530 = arith.constant 1.500000e-01 : f32
    %mul3A_531 = arith.mulf %convert_element_type3A_529, %mul3A_530 : f32
    %ceil3A_532 = math.ceil %mul3A_531 : f32
    %le3A_533 = vector.broadcast %iota3A : vector<1x2048xi32> to vector<384x2048xi32>
    %le3A_534 = vector.broadcast %iota3A_1 : vector<384x1xi32> to vector<384x2048xi32>
    %le3A_535 = arith.cmpi sle, %le3A_533, %le3A_534 : vector<384x2048xi32>
    %and3A_536 = vector.broadcast %ne3A_513 : vector<1x2048xi1> to vector<384x2048xi1>
    %and3A_537 = arith.andi %le3A_535, %and3A_536 : vector<384x2048xi1>
    %convert_element_type3A_538 = arith.extui %and3A_537 : vector<384x2048xi1> to vector<384x2048xi32>
    %reduce_sum3A_539 = arith.constant dense<0> : vector<384xi32>
    %reduce_sum3A_540 = vector.multi_reduction <add>, %convert_element_type3A_538, %reduce_sum3A_539 [1] : vector<384x2048xi32> to vector<384xi32>
    %broadcast_in_dim3A_541 = vector.shape_cast %reduce_sum3A_540 : vector<384xi32> to vector<384x1xi32>
    %convert_element_type3A_542 = arith.sitofp %broadcast_in_dim3A_541 : vector<384x1xi32> to vector<384x1xf32>
    %le3A_543 = vector.broadcast %ceil3A_532 : f32 to vector<384x1xf32>
    %le3A_544 = arith.cmpf ole, %convert_element_type3A_542, %le3A_543 : vector<384x1xf32>
    %lt3A_545 = arith.constant 308 : i32
    %lt3A_546 = vector.broadcast %lt3A_545 : i32 to vector<384x1xi32>
    %lt3A_547 = arith.cmpi slt, %iota3A_1, %lt3A_546 : vector<384x1xi32>
    %and3A_548 = arith.andi %le3A_544, %lt3A_547 : vector<384x1xi1>
    %convert_element_type3A_549 = arith.extui %and3A_548 : vector<384x1xi1> to vector<384x1xi32>
    %reduce_sum3A_550 = vector.shape_cast %convert_element_type3A_549 : vector<384x1xi32> to vector<1x384x1xi32>
    %reduce_sum3A_551 = arith.constant dense<0> : vector<1xi32>
    %reduce_sum3A_552 = vector.multi_reduction <add>, %reduce_sum3A_550, %reduce_sum3A_551 [1, 2] : vector<1x384x1xi32> to vector<1xi32>
    %reduce_sum3A_553 = vector.shape_cast %reduce_sum3A_552 : vector<1xi32> to vector<1x1x1xi32>
    %reduce_sum3A_554 = vector.extract %reduce_sum3A_553[0, 0, 0] : i32 from vector<1x1x1xi32>
    %broadcast_in_dim3A_555 = arith.constant 0 : i32
    %broadcast_in_dim3A_556 = vector.broadcast %broadcast_in_dim3A_555 : i32 to vector<1x384xi32>
    %broadcast_in_dim3A_557 = arith.constant 0 : i32
    %broadcast_in_dim3A_558 = vector.broadcast %broadcast_in_dim3A_557 : i32 to vector<1x384xi32>
    %slice3A_559 = vector.extract_strided_slice %select_n3A_522 {offsets = [0, 0], sizes = [256, 1], strides = [1, 1]} : vector<2048x1xf32> to vector<256x1xf32>
    %iota3A_560 = tpu.iota {dimensions = array<i32: 0>} : vector<256x1xi32>
    %add3A_561 = arith.constant 0 : i32
    %add3A_562 = vector.broadcast %add3A_561 : i32 to vector<256x1xi32>
    %add3A_563 = arith.addi %iota3A_560, %add3A_562 : vector<256x1xi32>
    %gt3A_564 = vector.broadcast %select_n3A_519 : vector<1x2048xf32> to vector<256x2048xf32>
    %gt3A_565 = vector.broadcast %slice3A_559 : vector<256x1xf32> to vector<256x2048xf32>
    %gt3A_566 = arith.cmpf ogt, %gt3A_564, %gt3A_565 : vector<256x2048xf32>
    %eq3A_567 = vector.broadcast %select_n3A_519 : vector<1x2048xf32> to vector<256x2048xf32>
    %eq3A_568 = vector.broadcast %slice3A_559 : vector<256x1xf32> to vector<256x2048xf32>
    %eq3A_569 = arith.cmpf oeq, %eq3A_567, %eq3A_568 : vector<256x2048xf32>
    %lt3A_570 = vector.broadcast %iota3A : vector<1x2048xi32> to vector<256x2048xi32>
    %lt3A_571 = vector.broadcast %add3A_563 : vector<256x1xi32> to vector<256x2048xi32>
    %lt3A_572 = arith.cmpi slt, %lt3A_570, %lt3A_571 : vector<256x2048xi32>
    %and3A_573 = arith.andi %eq3A_569, %lt3A_572 : vector<256x2048xi1>
    %or3A_574 = arith.ori %gt3A_566, %and3A_573 : vector<256x2048xi1>
    %convert_element_type3A_575 = arith.extui %or3A_574 : vector<256x2048xi1> to vector<256x2048xi32>
    %reduce_sum3A_576 = arith.constant dense<0> : vector<256xi32>
    %reduce_sum3A_577 = vector.multi_reduction <add>, %convert_element_type3A_575, %reduce_sum3A_576 [1] : vector<256x2048xi32> to vector<256xi32>
    %broadcast_in_dim3A_578 = vector.shape_cast %reduce_sum3A_577 : vector<256xi32> to vector<256x1xi32>
    %lt3A_579 = vector.broadcast %reduce_sum3A_554 : i32 to vector<256x1xi32>
    %lt3A_580 = arith.cmpi slt, %broadcast_in_dim3A_578, %lt3A_579 : vector<256x1xi32>
    %slice3A_581 = vector.extract_strided_slice %lt3A_510 {offsets = [0, 0], sizes = [256, 1], strides = [1, 1]} : vector<2048x1xi1> to vector<256x1xi1>
    %not3A_582 = arith.constant dense<true> : vector<256x1xi1>
    %not3A_583 = arith.xori %slice3A_581, %not3A_582 : vector<256x1xi1>
    %and3A_584 = arith.andi %lt3A_580, %not3A_583 : vector<256x1xi1>
    %convert_element_type3A_585 = arith.extui %and3A_584 : vector<256x1xi1> to vector<256x1xi32>
    %eq3A_586 = vector.broadcast %broadcast_in_dim3A_578 : vector<256x1xi32> to vector<256x384xi32>
    %eq3A_587 = vector.broadcast %iota3A_0 : vector<1x384xi32> to vector<256x384xi32>
    %eq3A_588 = arith.cmpi eq, %eq3A_586, %eq3A_587 : vector<256x384xi32>
    %convert_element_type3A_589 = arith.extui %eq3A_588 : vector<256x384xi1> to vector<256x384xi32>
    %slice3A_590 = vector.extract_strided_slice %get3A_492 {offsets = [0, 0], sizes = [256, 1], strides = [1, 1]} : vector<2048x1xi32> to vector<256x1xi32>
    %mul3A_591 = vector.broadcast %slice3A_590 : vector<256x1xi32> to vector<256x384xi32>
    %mul3A_592 = arith.muli %convert_element_type3A_589, %mul3A_591 : vector<256x384xi32>
    %reduce_sum3A_593 = arith.constant dense<0> : vector<384xi32>
    %reduce_sum3A_594 = vector.multi_reduction <add>, %mul3A_592, %reduce_sum3A_593 [0] : vector<256x384xi32> to vector<384xi32>
    %broadcast_in_dim3A_595 = vector.shape_cast %reduce_sum3A_594 : vector<384xi32> to vector<1x384xi32>
    %add3A_596 = arith.addi %broadcast_in_dim3A_556, %broadcast_in_dim3A_595 : vector<1x384xi32>
    %mul3A_597 = vector.broadcast %convert_element_type3A_585 : vector<256x1xi32> to vector<256x384xi32>
    %mul3A_598 = arith.muli %convert_element_type3A_589, %mul3A_597 : vector<256x384xi32>
    %reduce_sum3A_599 = arith.constant dense<0> : vector<384xi32>
    %reduce_sum3A_600 = vector.multi_reduction <add>, %mul3A_598, %reduce_sum3A_599 [0] : vector<256x384xi32> to vector<384xi32>
    %broadcast_in_dim3A_601 = vector.shape_cast %reduce_sum3A_600 : vector<384xi32> to vector<1x384xi32>
    %add3A_602 = arith.addi %broadcast_in_dim3A_558, %broadcast_in_dim3A_601 : vector<1x384xi32>
    %slice3A_603 = vector.extract_strided_slice %select_n3A_522 {offsets = [256, 0], sizes = [256, 1], strides = [1, 1]} : vector<2048x1xf32> to vector<256x1xf32>
    %iota3A_604 = tpu.iota {dimensions = array<i32: 0>} : vector<256x1xi32>
    %add3A_605 = arith.constant 256 : i32
    %add3A_606 = vector.broadcast %add3A_605 : i32 to vector<256x1xi32>
    %add3A_607 = arith.addi %iota3A_604, %add3A_606 : vector<256x1xi32>
    %gt3A_608 = vector.broadcast %select_n3A_519 : vector<1x2048xf32> to vector<256x2048xf32>
    %gt3A_609 = vector.broadcast %slice3A_603 : vector<256x1xf32> to vector<256x2048xf32>
    %gt3A_610 = arith.cmpf ogt, %gt3A_608, %gt3A_609 : vector<256x2048xf32>
    %eq3A_611 = vector.broadcast %select_n3A_519 : vector<1x2048xf32> to vector<256x2048xf32>
    %eq3A_612 = vector.broadcast %slice3A_603 : vector<256x1xf32> to vector<256x2048xf32>
    %eq3A_613 = arith.cmpf oeq, %eq3A_611, %eq3A_612 : vector<256x2048xf32>
    %lt3A_614 = vector.broadcast %iota3A : vector<1x2048xi32> to vector<256x2048xi32>
    %lt3A_615 = vector.broadcast %add3A_607 : vector<256x1xi32> to vector<256x2048xi32>
    %lt3A_616 = arith.cmpi slt, %lt3A_614, %lt3A_615 : vector<256x2048xi32>
    %and3A_617 = arith.andi %eq3A_613, %lt3A_616 : vector<256x2048xi1>
    %or3A_618 = arith.ori %gt3A_610, %and3A_617 : vector<256x2048xi1>
    %convert_element_type3A_619 = arith.extui %or3A_618 : vector<256x2048xi1> to vector<256x2048xi32>
    %reduce_sum3A_620 = arith.constant dense<0> : vector<256xi32>
    %reduce_sum3A_621 = vector.multi_reduction <add>, %convert_element_type3A_619, %reduce_sum3A_620 [1] : vector<256x2048xi32> to vector<256xi32>
    %broadcast_in_dim3A_622 = vector.shape_cast %reduce_sum3A_621 : vector<256xi32> to vector<256x1xi32>
    %lt3A_623 = vector.broadcast %reduce_sum3A_554 : i32 to vector<256x1xi32>
    %lt3A_624 = arith.cmpi slt, %broadcast_in_dim3A_622, %lt3A_623 : vector<256x1xi32>
    %slice3A_625 = vector.extract_strided_slice %lt3A_510 {offsets = [256, 0], sizes = [256, 1], strides = [1, 1]} : vector<2048x1xi1> to vector<256x1xi1>
    %not3A_626 = arith.constant dense<true> : vector<256x1xi1>
    %not3A_627 = arith.xori %slice3A_625, %not3A_626 : vector<256x1xi1>
    %and3A_628 = arith.andi %lt3A_624, %not3A_627 : vector<256x1xi1>
    %convert_element_type3A_629 = arith.extui %and3A_628 : vector<256x1xi1> to vector<256x1xi32>
    %eq3A_630 = vector.broadcast %broadcast_in_dim3A_622 : vector<256x1xi32> to vector<256x384xi32>
    %eq3A_631 = vector.broadcast %iota3A_0 : vector<1x384xi32> to vector<256x384xi32>
    %eq3A_632 = arith.cmpi eq, %eq3A_630, %eq3A_631 : vector<256x384xi32>
    %convert_element_type3A_633 = arith.extui %eq3A_632 : vector<256x384xi1> to vector<256x384xi32>
    %slice3A_634 = vector.extract_strided_slice %get3A_492 {offsets = [256, 0], sizes = [256, 1], strides = [1, 1]} : vector<2048x1xi32> to vector<256x1xi32>
    %mul3A_635 = vector.broadcast %slice3A_634 : vector<256x1xi32> to vector<256x384xi32>
    %mul3A_636 = arith.muli %convert_element_type3A_633, %mul3A_635 : vector<256x384xi32>
    %reduce_sum3A_637 = arith.constant dense<0> : vector<384xi32>
    %reduce_sum3A_638 = vector.multi_reduction <add>, %mul3A_636, %reduce_sum3A_637 [0] : vector<256x384xi32> to vector<384xi32>
    %broadcast_in_dim3A_639 = vector.shape_cast %reduce_sum3A_638 : vector<384xi32> to vector<1x384xi32>
    %add3A_640 = arith.addi %add3A_596, %broadcast_in_dim3A_639 : vector<1x384xi32>
    %mul3A_641 = vector.broadcast %convert_element_type3A_629 : vector<256x1xi32> to vector<256x384xi32>
    %mul3A_642 = arith.muli %convert_element_type3A_633, %mul3A_641 : vector<256x384xi32>
    %reduce_sum3A_643 = arith.constant dense<0> : vector<384xi32>
    %reduce_sum3A_644 = vector.multi_reduction <add>, %mul3A_642, %reduce_sum3A_643 [0] : vector<256x384xi32> to vector<384xi32>
    %broadcast_in_dim3A_645 = vector.shape_cast %reduce_sum3A_644 : vector<384xi32> to vector<1x384xi32>
    %add3A_646 = arith.addi %add3A_602, %broadcast_in_dim3A_645 : vector<1x384xi32>
    %slice3A_647 = vector.extract_strided_slice %select_n3A_522 {offsets = [512, 0], sizes = [256, 1], strides = [1, 1]} : vector<2048x1xf32> to vector<256x1xf32>
    %iota3A_648 = tpu.iota {dimensions = array<i32: 0>} : vector<256x1xi32>
    %add3A_649 = arith.constant 512 : i32
    %add3A_650 = vector.broadcast %add3A_649 : i32 to vector<256x1xi32>
    %add3A_651 = arith.addi %iota3A_648, %add3A_650 : vector<256x1xi32>
    %gt3A_652 = vector.broadcast %select_n3A_519 : vector<1x2048xf32> to vector<256x2048xf32>
    %gt3A_653 = vector.broadcast %slice3A_647 : vector<256x1xf32> to vector<256x2048xf32>
    %gt3A_654 = arith.cmpf ogt, %gt3A_652, %gt3A_653 : vector<256x2048xf32>
    %eq3A_655 = vector.broadcast %select_n3A_519 : vector<1x2048xf32> to vector<256x2048xf32>
    %eq3A_656 = vector.broadcast %slice3A_647 : vector<256x1xf32> to vector<256x2048xf32>
    %eq3A_657 = arith.cmpf oeq, %eq3A_655, %eq3A_656 : vector<256x2048xf32>
    %lt3A_658 = vector.broadcast %iota3A : vector<1x2048xi32> to vector<256x2048xi32>
    %lt3A_659 = vector.broadcast %add3A_651 : vector<256x1xi32> to vector<256x2048xi32>
    %lt3A_660 = arith.cmpi slt, %lt3A_658, %lt3A_659 : vector<256x2048xi32>
    %and3A_661 = arith.andi %eq3A_657, %lt3A_660 : vector<256x2048xi1>
    %or3A_662 = arith.ori %gt3A_654, %and3A_661 : vector<256x2048xi1>
    %convert_element_type3A_663 = arith.extui %or3A_662 : vector<256x2048xi1> to vector<256x2048xi32>
    %reduce_sum3A_664 = arith.constant dense<0> : vector<256xi32>
    %reduce_sum3A_665 = vector.multi_reduction <add>, %convert_element_type3A_663, %reduce_sum3A_664 [1] : vector<256x2048xi32> to vector<256xi32>
    %broadcast_in_dim3A_666 = vector.shape_cast %reduce_sum3A_665 : vector<256xi32> to vector<256x1xi32>
    %lt3A_667 = vector.broadcast %reduce_sum3A_554 : i32 to vector<256x1xi32>
    %lt3A_668 = arith.cmpi slt, %broadcast_in_dim3A_666, %lt3A_667 : vector<256x1xi32>
    %slice3A_669 = vector.extract_strided_slice %lt3A_510 {offsets = [512, 0], sizes = [256, 1], strides = [1, 1]} : vector<2048x1xi1> to vector<256x1xi1>
    %not3A_670 = arith.constant dense<true> : vector<256x1xi1>
    %not3A_671 = arith.xori %slice3A_669, %not3A_670 : vector<256x1xi1>
    %and3A_672 = arith.andi %lt3A_668, %not3A_671 : vector<256x1xi1>
    %convert_element_type3A_673 = arith.extui %and3A_672 : vector<256x1xi1> to vector<256x1xi32>
    %eq3A_674 = vector.broadcast %broadcast_in_dim3A_666 : vector<256x1xi32> to vector<256x384xi32>
    %eq3A_675 = vector.broadcast %iota3A_0 : vector<1x384xi32> to vector<256x384xi32>
    %eq3A_676 = arith.cmpi eq, %eq3A_674, %eq3A_675 : vector<256x384xi32>
    %convert_element_type3A_677 = arith.extui %eq3A_676 : vector<256x384xi1> to vector<256x384xi32>
    %slice3A_678 = vector.extract_strided_slice %get3A_492 {offsets = [512, 0], sizes = [256, 1], strides = [1, 1]} : vector<2048x1xi32> to vector<256x1xi32>
    %mul3A_679 = vector.broadcast %slice3A_678 : vector<256x1xi32> to vector<256x384xi32>
    %mul3A_680 = arith.muli %convert_element_type3A_677, %mul3A_679 : vector<256x384xi32>
    %reduce_sum3A_681 = arith.constant dense<0> : vector<384xi32>
    %reduce_sum3A_682 = vector.multi_reduction <add>, %mul3A_680, %reduce_sum3A_681 [0] : vector<256x384xi32> to vector<384xi32>
    %broadcast_in_dim3A_683 = vector.shape_cast %reduce_sum3A_682 : vector<384xi32> to vector<1x384xi32>
    %add3A_684 = arith.addi %add3A_640, %broadcast_in_dim3A_683 : vector<1x384xi32>
    %mul3A_685 = vector.broadcast %convert_element_type3A_673 : vector<256x1xi32> to vector<256x384xi32>
    %mul3A_686 = arith.muli %convert_element_type3A_677, %mul3A_685 : vector<256x384xi32>
    %reduce_sum3A_687 = arith.constant dense<0> : vector<384xi32>
    %reduce_sum3A_688 = vector.multi_reduction <add>, %mul3A_686, %reduce_sum3A_687 [0] : vector<256x384xi32> to vector<384xi32>
    %broadcast_in_dim3A_689 = vector.shape_cast %reduce_sum3A_688 : vector<384xi32> to vector<1x384xi32>
    %add3A_690 = arith.addi %add3A_646, %broadcast_in_dim3A_689 : vector<1x384xi32>
    %slice3A_691 = vector.extract_strided_slice %select_n3A_522 {offsets = [768, 0], sizes = [256, 1], strides = [1, 1]} : vector<2048x1xf32> to vector<256x1xf32>
    %iota3A_692 = tpu.iota {dimensions = array<i32: 0>} : vector<256x1xi32>
    %add3A_693 = arith.constant 768 : i32
    %add3A_694 = vector.broadcast %add3A_693 : i32 to vector<256x1xi32>
    %add3A_695 = arith.addi %iota3A_692, %add3A_694 : vector<256x1xi32>
    %gt3A_696 = vector.broadcast %select_n3A_519 : vector<1x2048xf32> to vector<256x2048xf32>
    %gt3A_697 = vector.broadcast %slice3A_691 : vector<256x1xf32> to vector<256x2048xf32>
    %gt3A_698 = arith.cmpf ogt, %gt3A_696, %gt3A_697 : vector<256x2048xf32>
    %eq3A_699 = vector.broadcast %select_n3A_519 : vector<1x2048xf32> to vector<256x2048xf32>
    %eq3A_700 = vector.broadcast %slice3A_691 : vector<256x1xf32> to vector<256x2048xf32>
    %eq3A_701 = arith.cmpf oeq, %eq3A_699, %eq3A_700 : vector<256x2048xf32>
    %lt3A_702 = vector.broadcast %iota3A : vector<1x2048xi32> to vector<256x2048xi32>
    %lt3A_703 = vector.broadcast %add3A_695 : vector<256x1xi32> to vector<256x2048xi32>
    %lt3A_704 = arith.cmpi slt, %lt3A_702, %lt3A_703 : vector<256x2048xi32>
    %and3A_705 = arith.andi %eq3A_701, %lt3A_704 : vector<256x2048xi1>
    %or3A_706 = arith.ori %gt3A_698, %and3A_705 : vector<256x2048xi1>
    %convert_element_type3A_707 = arith.extui %or3A_706 : vector<256x2048xi1> to vector<256x2048xi32>
    %reduce_sum3A_708 = arith.constant dense<0> : vector<256xi32>
    %reduce_sum3A_709 = vector.multi_reduction <add>, %convert_element_type3A_707, %reduce_sum3A_708 [1] : vector<256x2048xi32> to vector<256xi32>
    %broadcast_in_dim3A_710 = vector.shape_cast %reduce_sum3A_709 : vector<256xi32> to vector<256x1xi32>
    %lt3A_711 = vector.broadcast %reduce_sum3A_554 : i32 to vector<256x1xi32>
    %lt3A_712 = arith.cmpi slt, %broadcast_in_dim3A_710, %lt3A_711 : vector<256x1xi32>
    %slice3A_713 = vector.extract_strided_slice %lt3A_510 {offsets = [768, 0], sizes = [256, 1], strides = [1, 1]} : vector<2048x1xi1> to vector<256x1xi1>
    %not3A_714 = arith.constant dense<true> : vector<256x1xi1>
    %not3A_715 = arith.xori %slice3A_713, %not3A_714 : vector<256x1xi1>
    %and3A_716 = arith.andi %lt3A_712, %not3A_715 : vector<256x1xi1>
    %convert_element_type3A_717 = arith.extui %and3A_716 : vector<256x1xi1> to vector<256x1xi32>
    %eq3A_718 = vector.broadcast %broadcast_in_dim3A_710 : vector<256x1xi32> to vector<256x384xi32>
    %eq3A_719 = vector.broadcast %iota3A_0 : vector<1x384xi32> to vector<256x384xi32>
    %eq3A_720 = arith.cmpi eq, %eq3A_718, %eq3A_719 : vector<256x384xi32>
    %convert_element_type3A_721 = arith.extui %eq3A_720 : vector<256x384xi1> to vector<256x384xi32>
    %slice3A_722 = vector.extract_strided_slice %get3A_492 {offsets = [768, 0], sizes = [256, 1], strides = [1, 1]} : vector<2048x1xi32> to vector<256x1xi32>
    %mul3A_723 = vector.broadcast %slice3A_722 : vector<256x1xi32> to vector<256x384xi32>
    %mul3A_724 = arith.muli %convert_element_type3A_721, %mul3A_723 : vector<256x384xi32>
    %reduce_sum3A_725 = arith.constant dense<0> : vector<384xi32>
    %reduce_sum3A_726 = vector.multi_reduction <add>, %mul3A_724, %reduce_sum3A_725 [0] : vector<256x384xi32> to vector<384xi32>
    %broadcast_in_dim3A_727 = vector.shape_cast %reduce_sum3A_726 : vector<384xi32> to vector<1x384xi32>
    %add3A_728 = arith.addi %add3A_684, %broadcast_in_dim3A_727 : vector<1x384xi32>
    %mul3A_729 = vector.broadcast %convert_element_type3A_717 : vector<256x1xi32> to vector<256x384xi32>
    %mul3A_730 = arith.muli %convert_element_type3A_721, %mul3A_729 : vector<256x384xi32>
    %reduce_sum3A_731 = arith.constant dense<0> : vector<384xi32>
    %reduce_sum3A_732 = vector.multi_reduction <add>, %mul3A_730, %reduce_sum3A_731 [0] : vector<256x384xi32> to vector<384xi32>
    %broadcast_in_dim3A_733 = vector.shape_cast %reduce_sum3A_732 : vector<384xi32> to vector<1x384xi32>
    %add3A_734 = arith.addi %add3A_690, %broadcast_in_dim3A_733 : vector<1x384xi32>
    %slice3A_735 = vector.extract_strided_slice %select_n3A_522 {offsets = [1024, 0], sizes = [256, 1], strides = [1, 1]} : vector<2048x1xf32> to vector<256x1xf32>
    %iota3A_736 = tpu.iota {dimensions = array<i32: 0>} : vector<256x1xi32>
    %add3A_737 = arith.constant 1024 : i32
    %add3A_738 = vector.broadcast %add3A_737 : i32 to vector<256x1xi32>
    %add3A_739 = arith.addi %iota3A_736, %add3A_738 : vector<256x1xi32>
    %gt3A_740 = vector.broadcast %select_n3A_519 : vector<1x2048xf32> to vector<256x2048xf32>
    %gt3A_741 = vector.broadcast %slice3A_735 : vector<256x1xf32> to vector<256x2048xf32>
    %gt3A_742 = arith.cmpf ogt, %gt3A_740, %gt3A_741 : vector<256x2048xf32>
    %eq3A_743 = vector.broadcast %select_n3A_519 : vector<1x2048xf32> to vector<256x2048xf32>
    %eq3A_744 = vector.broadcast %slice3A_735 : vector<256x1xf32> to vector<256x2048xf32>
    %eq3A_745 = arith.cmpf oeq, %eq3A_743, %eq3A_744 : vector<256x2048xf32>
    %lt3A_746 = vector.broadcast %iota3A : vector<1x2048xi32> to vector<256x2048xi32>
    %lt3A_747 = vector.broadcast %add3A_739 : vector<256x1xi32> to vector<256x2048xi32>
    %lt3A_748 = arith.cmpi slt, %lt3A_746, %lt3A_747 : vector<256x2048xi32>
    %and3A_749 = arith.andi %eq3A_745, %lt3A_748 : vector<256x2048xi1>
    %or3A_750 = arith.ori %gt3A_742, %and3A_749 : vector<256x2048xi1>
    %convert_element_type3A_751 = arith.extui %or3A_750 : vector<256x2048xi1> to vector<256x2048xi32>
    %reduce_sum3A_752 = arith.constant dense<0> : vector<256xi32>
    %reduce_sum3A_753 = vector.multi_reduction <add>, %convert_element_type3A_751, %reduce_sum3A_752 [1] : vector<256x2048xi32> to vector<256xi32>
    %broadcast_in_dim3A_754 = vector.shape_cast %reduce_sum3A_753 : vector<256xi32> to vector<256x1xi32>
    %lt3A_755 = vector.broadcast %reduce_sum3A_554 : i32 to vector<256x1xi32>
    %lt3A_756 = arith.cmpi slt, %broadcast_in_dim3A_754, %lt3A_755 : vector<256x1xi32>
    %slice3A_757 = vector.extract_strided_slice %lt3A_510 {offsets = [1024, 0], sizes = [256, 1], strides = [1, 1]} : vector<2048x1xi1> to vector<256x1xi1>
    %not3A_758 = arith.constant dense<true> : vector<256x1xi1>
    %not3A_759 = arith.xori %slice3A_757, %not3A_758 : vector<256x1xi1>
    %and3A_760 = arith.andi %lt3A_756, %not3A_759 : vector<256x1xi1>
    %convert_element_type3A_761 = arith.extui %and3A_760 : vector<256x1xi1> to vector<256x1xi32>
    %eq3A_762 = vector.broadcast %broadcast_in_dim3A_754 : vector<256x1xi32> to vector<256x384xi32>
    %eq3A_763 = vector.broadcast %iota3A_0 : vector<1x384xi32> to vector<256x384xi32>
    %eq3A_764 = arith.cmpi eq, %eq3A_762, %eq3A_763 : vector<256x384xi32>
    %convert_element_type3A_765 = arith.extui %eq3A_764 : vector<256x384xi1> to vector<256x384xi32>
    %slice3A_766 = vector.extract_strided_slice %get3A_492 {offsets = [1024, 0], sizes = [256, 1], strides = [1, 1]} : vector<2048x1xi32> to vector<256x1xi32>
    %mul3A_767 = vector.broadcast %slice3A_766 : vector<256x1xi32> to vector<256x384xi32>
    %mul3A_768 = arith.muli %convert_element_type3A_765, %mul3A_767 : vector<256x384xi32>
    %reduce_sum3A_769 = arith.constant dense<0> : vector<384xi32>
    %reduce_sum3A_770 = vector.multi_reduction <add>, %mul3A_768, %reduce_sum3A_769 [0] : vector<256x384xi32> to vector<384xi32>
    %broadcast_in_dim3A_771 = vector.shape_cast %reduce_sum3A_770 : vector<384xi32> to vector<1x384xi32>
    %add3A_772 = arith.addi %add3A_728, %broadcast_in_dim3A_771 : vector<1x384xi32>
    %mul3A_773 = vector.broadcast %convert_element_type3A_761 : vector<256x1xi32> to vector<256x384xi32>
    %mul3A_774 = arith.muli %convert_element_type3A_765, %mul3A_773 : vector<256x384xi32>
    %reduce_sum3A_775 = arith.constant dense<0> : vector<384xi32>
    %reduce_sum3A_776 = vector.multi_reduction <add>, %mul3A_774, %reduce_sum3A_775 [0] : vector<256x384xi32> to vector<384xi32>
    %broadcast_in_dim3A_777 = vector.shape_cast %reduce_sum3A_776 : vector<384xi32> to vector<1x384xi32>
    %add3A_778 = arith.addi %add3A_734, %broadcast_in_dim3A_777 : vector<1x384xi32>
    %slice3A_779 = vector.extract_strided_slice %select_n3A_522 {offsets = [1280, 0], sizes = [256, 1], strides = [1, 1]} : vector<2048x1xf32> to vector<256x1xf32>
    %iota3A_780 = tpu.iota {dimensions = array<i32: 0>} : vector<256x1xi32>
    %add3A_781 = arith.constant 1280 : i32
    %add3A_782 = vector.broadcast %add3A_781 : i32 to vector<256x1xi32>
    %add3A_783 = arith.addi %iota3A_780, %add3A_782 : vector<256x1xi32>
    %gt3A_784 = vector.broadcast %select_n3A_519 : vector<1x2048xf32> to vector<256x2048xf32>
    %gt3A_785 = vector.broadcast %slice3A_779 : vector<256x1xf32> to vector<256x2048xf32>
    %gt3A_786 = arith.cmpf ogt, %gt3A_784, %gt3A_785 : vector<256x2048xf32>
    %eq3A_787 = vector.broadcast %select_n3A_519 : vector<1x2048xf32> to vector<256x2048xf32>
    %eq3A_788 = vector.broadcast %slice3A_779 : vector<256x1xf32> to vector<256x2048xf32>
    %eq3A_789 = arith.cmpf oeq, %eq3A_787, %eq3A_788 : vector<256x2048xf32>
    %lt3A_790 = vector.broadcast %iota3A : vector<1x2048xi32> to vector<256x2048xi32>
    %lt3A_791 = vector.broadcast %add3A_783 : vector<256x1xi32> to vector<256x2048xi32>
    %lt3A_792 = arith.cmpi slt, %lt3A_790, %lt3A_791 : vector<256x2048xi32>
    %and3A_793 = arith.andi %eq3A_789, %lt3A_792 : vector<256x2048xi1>
    %or3A_794 = arith.ori %gt3A_786, %and3A_793 : vector<256x2048xi1>
    %convert_element_type3A_795 = arith.extui %or3A_794 : vector<256x2048xi1> to vector<256x2048xi32>
    %reduce_sum3A_796 = arith.constant dense<0> : vector<256xi32>
    %reduce_sum3A_797 = vector.multi_reduction <add>, %convert_element_type3A_795, %reduce_sum3A_796 [1] : vector<256x2048xi32> to vector<256xi32>
    %broadcast_in_dim3A_798 = vector.shape_cast %reduce_sum3A_797 : vector<256xi32> to vector<256x1xi32>
    %lt3A_799 = vector.broadcast %reduce_sum3A_554 : i32 to vector<256x1xi32>
    %lt3A_800 = arith.cmpi slt, %broadcast_in_dim3A_798, %lt3A_799 : vector<256x1xi32>
    %slice3A_801 = vector.extract_strided_slice %lt3A_510 {offsets = [1280, 0], sizes = [256, 1], strides = [1, 1]} : vector<2048x1xi1> to vector<256x1xi1>
    %not3A_802 = arith.constant dense<true> : vector<256x1xi1>
    %not3A_803 = arith.xori %slice3A_801, %not3A_802 : vector<256x1xi1>
    %and3A_804 = arith.andi %lt3A_800, %not3A_803 : vector<256x1xi1>
    %convert_element_type3A_805 = arith.extui %and3A_804 : vector<256x1xi1> to vector<256x1xi32>
    %eq3A_806 = vector.broadcast %broadcast_in_dim3A_798 : vector<256x1xi32> to vector<256x384xi32>
    %eq3A_807 = vector.broadcast %iota3A_0 : vector<1x384xi32> to vector<256x384xi32>
    %eq3A_808 = arith.cmpi eq, %eq3A_806, %eq3A_807 : vector<256x384xi32>
    %convert_element_type3A_809 = arith.extui %eq3A_808 : vector<256x384xi1> to vector<256x384xi32>
    %slice3A_810 = vector.extract_strided_slice %get3A_492 {offsets = [1280, 0], sizes = [256, 1], strides = [1, 1]} : vector<2048x1xi32> to vector<256x1xi32>
    %mul3A_811 = vector.broadcast %slice3A_810 : vector<256x1xi32> to vector<256x384xi32>
    %mul3A_812 = arith.muli %convert_element_type3A_809, %mul3A_811 : vector<256x384xi32>
    %reduce_sum3A_813 = arith.constant dense<0> : vector<384xi32>
    %reduce_sum3A_814 = vector.multi_reduction <add>, %mul3A_812, %reduce_sum3A_813 [0] : vector<256x384xi32> to vector<384xi32>
    %broadcast_in_dim3A_815 = vector.shape_cast %reduce_sum3A_814 : vector<384xi32> to vector<1x384xi32>
    %add3A_816 = arith.addi %add3A_772, %broadcast_in_dim3A_815 : vector<1x384xi32>
    %mul3A_817 = vector.broadcast %convert_element_type3A_805 : vector<256x1xi32> to vector<256x384xi32>
    %mul3A_818 = arith.muli %convert_element_type3A_809, %mul3A_817 : vector<256x384xi32>
    %reduce_sum3A_819 = arith.constant dense<0> : vector<384xi32>
    %reduce_sum3A_820 = vector.multi_reduction <add>, %mul3A_818, %reduce_sum3A_819 [0] : vector<256x384xi32> to vector<384xi32>
    %broadcast_in_dim3A_821 = vector.shape_cast %reduce_sum3A_820 : vector<384xi32> to vector<1x384xi32>
    %add3A_822 = arith.addi %add3A_778, %broadcast_in_dim3A_821 : vector<1x384xi32>
    %slice3A_823 = vector.extract_strided_slice %select_n3A_522 {offsets = [1536, 0], sizes = [256, 1], strides = [1, 1]} : vector<2048x1xf32> to vector<256x1xf32>
    %iota3A_824 = tpu.iota {dimensions = array<i32: 0>} : vector<256x1xi32>
    %add3A_825 = arith.constant 1536 : i32
    %add3A_826 = vector.broadcast %add3A_825 : i32 to vector<256x1xi32>
    %add3A_827 = arith.addi %iota3A_824, %add3A_826 : vector<256x1xi32>
    %gt3A_828 = vector.broadcast %select_n3A_519 : vector<1x2048xf32> to vector<256x2048xf32>
    %gt3A_829 = vector.broadcast %slice3A_823 : vector<256x1xf32> to vector<256x2048xf32>
    %gt3A_830 = arith.cmpf ogt, %gt3A_828, %gt3A_829 : vector<256x2048xf32>
    %eq3A_831 = vector.broadcast %select_n3A_519 : vector<1x2048xf32> to vector<256x2048xf32>
    %eq3A_832 = vector.broadcast %slice3A_823 : vector<256x1xf32> to vector<256x2048xf32>
    %eq3A_833 = arith.cmpf oeq, %eq3A_831, %eq3A_832 : vector<256x2048xf32>
    %lt3A_834 = vector.broadcast %iota3A : vector<1x2048xi32> to vector<256x2048xi32>
    %lt3A_835 = vector.broadcast %add3A_827 : vector<256x1xi32> to vector<256x2048xi32>
    %lt3A_836 = arith.cmpi slt, %lt3A_834, %lt3A_835 : vector<256x2048xi32>
    %and3A_837 = arith.andi %eq3A_833, %lt3A_836 : vector<256x2048xi1>
    %or3A_838 = arith.ori %gt3A_830, %and3A_837 : vector<256x2048xi1>
    %convert_element_type3A_839 = arith.extui %or3A_838 : vector<256x2048xi1> to vector<256x2048xi32>
    %reduce_sum3A_840 = arith.constant dense<0> : vector<256xi32>
    %reduce_sum3A_841 = vector.multi_reduction <add>, %convert_element_type3A_839, %reduce_sum3A_840 [1] : vector<256x2048xi32> to vector<256xi32>
    %broadcast_in_dim3A_842 = vector.shape_cast %reduce_sum3A_841 : vector<256xi32> to vector<256x1xi32>
    %lt3A_843 = vector.broadcast %reduce_sum3A_554 : i32 to vector<256x1xi32>
    %lt3A_844 = arith.cmpi slt, %broadcast_in_dim3A_842, %lt3A_843 : vector<256x1xi32>
    %slice3A_845 = vector.extract_strided_slice %lt3A_510 {offsets = [1536, 0], sizes = [256, 1], strides = [1, 1]} : vector<2048x1xi1> to vector<256x1xi1>
    %not3A_846 = arith.constant dense<true> : vector<256x1xi1>
    %not3A_847 = arith.xori %slice3A_845, %not3A_846 : vector<256x1xi1>
    %and3A_848 = arith.andi %lt3A_844, %not3A_847 : vector<256x1xi1>
    %convert_element_type3A_849 = arith.extui %and3A_848 : vector<256x1xi1> to vector<256x1xi32>
    %eq3A_850 = vector.broadcast %broadcast_in_dim3A_842 : vector<256x1xi32> to vector<256x384xi32>
    %eq3A_851 = vector.broadcast %iota3A_0 : vector<1x384xi32> to vector<256x384xi32>
    %eq3A_852 = arith.cmpi eq, %eq3A_850, %eq3A_851 : vector<256x384xi32>
    %convert_element_type3A_853 = arith.extui %eq3A_852 : vector<256x384xi1> to vector<256x384xi32>
    %slice3A_854 = vector.extract_strided_slice %get3A_492 {offsets = [1536, 0], sizes = [256, 1], strides = [1, 1]} : vector<2048x1xi32> to vector<256x1xi32>
    %mul3A_855 = vector.broadcast %slice3A_854 : vector<256x1xi32> to vector<256x384xi32>
    %mul3A_856 = arith.muli %convert_element_type3A_853, %mul3A_855 : vector<256x384xi32>
    %reduce_sum3A_857 = arith.constant dense<0> : vector<384xi32>
    %reduce_sum3A_858 = vector.multi_reduction <add>, %mul3A_856, %reduce_sum3A_857 [0] : vector<256x384xi32> to vector<384xi32>
    %broadcast_in_dim3A_859 = vector.shape_cast %reduce_sum3A_858 : vector<384xi32> to vector<1x384xi32>
    %add3A_860 = arith.addi %add3A_816, %broadcast_in_dim3A_859 : vector<1x384xi32>
    %mul3A_861 = vector.broadcast %convert_element_type3A_849 : vector<256x1xi32> to vector<256x384xi32>
    %mul3A_862 = arith.muli %convert_element_type3A_853, %mul3A_861 : vector<256x384xi32>
    %reduce_sum3A_863 = arith.constant dense<0> : vector<384xi32>
    %reduce_sum3A_864 = vector.multi_reduction <add>, %mul3A_862, %reduce_sum3A_863 [0] : vector<256x384xi32> to vector<384xi32>
    %broadcast_in_dim3A_865 = vector.shape_cast %reduce_sum3A_864 : vector<384xi32> to vector<1x384xi32>
    %add3A_866 = arith.addi %add3A_822, %broadcast_in_dim3A_865 : vector<1x384xi32>
    %slice3A_867 = vector.extract_strided_slice %select_n3A_522 {offsets = [1792, 0], sizes = [256, 1], strides = [1, 1]} : vector<2048x1xf32> to vector<256x1xf32>
    %iota3A_868 = tpu.iota {dimensions = array<i32: 0>} : vector<256x1xi32>
    %add3A_869 = arith.constant 1792 : i32
    %add3A_870 = vector.broadcast %add3A_869 : i32 to vector<256x1xi32>
    %add3A_871 = arith.addi %iota3A_868, %add3A_870 : vector<256x1xi32>
    %gt3A_872 = vector.broadcast %select_n3A_519 : vector<1x2048xf32> to vector<256x2048xf32>
    %gt3A_873 = vector.broadcast %slice3A_867 : vector<256x1xf32> to vector<256x2048xf32>
    %gt3A_874 = arith.cmpf ogt, %gt3A_872, %gt3A_873 : vector<256x2048xf32>
    %eq3A_875 = vector.broadcast %select_n3A_519 : vector<1x2048xf32> to vector<256x2048xf32>
    %eq3A_876 = vector.broadcast %slice3A_867 : vector<256x1xf32> to vector<256x2048xf32>
    %eq3A_877 = arith.cmpf oeq, %eq3A_875, %eq3A_876 : vector<256x2048xf32>
    %lt3A_878 = vector.broadcast %iota3A : vector<1x2048xi32> to vector<256x2048xi32>
    %lt3A_879 = vector.broadcast %add3A_871 : vector<256x1xi32> to vector<256x2048xi32>
    %lt3A_880 = arith.cmpi slt, %lt3A_878, %lt3A_879 : vector<256x2048xi32>
    %and3A_881 = arith.andi %eq3A_877, %lt3A_880 : vector<256x2048xi1>
    %or3A_882 = arith.ori %gt3A_874, %and3A_881 : vector<256x2048xi1>
    %convert_element_type3A_883 = arith.extui %or3A_882 : vector<256x2048xi1> to vector<256x2048xi32>
    %reduce_sum3A_884 = arith.constant dense<0> : vector<256xi32>
    %reduce_sum3A_885 = vector.multi_reduction <add>, %convert_element_type3A_883, %reduce_sum3A_884 [1] : vector<256x2048xi32> to vector<256xi32>
    %broadcast_in_dim3A_886 = vector.shape_cast %reduce_sum3A_885 : vector<256xi32> to vector<256x1xi32>
    %lt3A_887 = vector.broadcast %reduce_sum3A_554 : i32 to vector<256x1xi32>
    %lt3A_888 = arith.cmpi slt, %broadcast_in_dim3A_886, %lt3A_887 : vector<256x1xi32>
    %slice3A_889 = vector.extract_strided_slice %lt3A_510 {offsets = [1792, 0], sizes = [256, 1], strides = [1, 1]} : vector<2048x1xi1> to vector<256x1xi1>
    %not3A_890 = arith.constant dense<true> : vector<256x1xi1>
    %not3A_891 = arith.xori %slice3A_889, %not3A_890 : vector<256x1xi1>
    %and3A_892 = arith.andi %lt3A_888, %not3A_891 : vector<256x1xi1>
    %convert_element_type3A_893 = arith.extui %and3A_892 : vector<256x1xi1> to vector<256x1xi32>
    %eq3A_894 = vector.broadcast %broadcast_in_dim3A_886 : vector<256x1xi32> to vector<256x384xi32>
    %eq3A_895 = vector.broadcast %iota3A_0 : vector<1x384xi32> to vector<256x384xi32>
    %eq3A_896 = arith.cmpi eq, %eq3A_894, %eq3A_895 : vector<256x384xi32>
    %convert_element_type3A_897 = arith.extui %eq3A_896 : vector<256x384xi1> to vector<256x384xi32>
    %slice3A_898 = vector.extract_strided_slice %get3A_492 {offsets = [1792, 0], sizes = [256, 1], strides = [1, 1]} : vector<2048x1xi32> to vector<256x1xi32>
    %mul3A_899 = vector.broadcast %slice3A_898 : vector<256x1xi32> to vector<256x384xi32>
    %mul3A_900 = arith.muli %convert_element_type3A_897, %mul3A_899 : vector<256x384xi32>
    %reduce_sum3A_901 = arith.constant dense<0> : vector<384xi32>
    %reduce_sum3A_902 = vector.multi_reduction <add>, %mul3A_900, %reduce_sum3A_901 [0] : vector<256x384xi32> to vector<384xi32>
    %broadcast_in_dim3A_903 = vector.shape_cast %reduce_sum3A_902 : vector<384xi32> to vector<1x384xi32>
    %add3A_904 = arith.addi %add3A_860, %broadcast_in_dim3A_903 : vector<1x384xi32>
    %mul3A_905 = vector.broadcast %convert_element_type3A_893 : vector<256x1xi32> to vector<256x384xi32>
    %mul3A_906 = arith.muli %convert_element_type3A_897, %mul3A_905 : vector<256x384xi32>
    %reduce_sum3A_907 = arith.constant dense<0> : vector<384xi32>
    %reduce_sum3A_908 = vector.multi_reduction <add>, %mul3A_906, %reduce_sum3A_907 [0] : vector<256x384xi32> to vector<384xi32>
    %broadcast_in_dim3A_909 = vector.shape_cast %reduce_sum3A_908 : vector<384xi32> to vector<1x384xi32>
    %add3A_910 = arith.addi %add3A_866, %broadcast_in_dim3A_909 : vector<1x384xi32>
    %lt3A_911 = vector.broadcast %reduce_sum3A_554 : i32 to vector<1x384xi32>
    %lt3A_912 = arith.cmpi slt, %iota3A_0, %lt3A_911 : vector<1x384xi32>
    %ne3A_913 = arith.constant 0 : i32
    %ne3A_914 = vector.broadcast %ne3A_913 : i32 to vector<1x384xi32>
    %ne3A_915 = arith.cmpi ne, %add3A_904, %ne3A_914 : vector<1x384xi32>
    %and3A_916 = arith.andi %lt3A_912, %ne3A_915 : vector<1x384xi1>
    %convert_element_type3A_917 = arith.sitofp %add3A_910 : vector<1x384xi32> to vector<1x384xf32>
    %dot_general3A_918 = arith.constant dense<0.000000e+00> : vector<1x384xf32>
    %dot_general3A_919 = tpu.matmul %convert_element_type3A_917, %convert_element_type3A_4, %dot_general3A_918 {dimension_numbers = #tpu.dot_dimension_numbers<[1], [0], [0], [1], [0, 0, 1, 1], [], []>, transpose_lhs_hint = false} : vector<1x384xf32>, vector<384x384xf32>, vector<1x384xf32> -> vector<1x384xf32>
    %convert_element_type3A_920 = arith.fptosi %dot_general3A_919 : vector<1x384xf32> to vector<1x384xi32>
    %eq3A_921 = arith.constant 1 : i32
    %eq3A_922 = vector.broadcast %eq3A_921 : i32 to vector<1x384xi32>
    %eq3A_923 = arith.cmpi eq, %add3A_910, %eq3A_922 : vector<1x384xi32>
    %add3A_924 = arith.constant 233 : i32
    %add3A_925 = vector.broadcast %add3A_924 : i32 to vector<1x384xi32>
    %add3A_926 = arith.addi %add3A_925, %convert_element_type3A_920 : vector<1x384xi32>
    %jit3A_927 = arith.constant 0 : i32
    %broadcast_in_dim3A_928 = vector.broadcast %jit3A_927 : i32 to vector<1x384xi32>
    %select_n3A_929 = arith.select %eq3A_923, %add3A_926, %broadcast_in_dim3A_928 : vector<1x384xi1>, vector<1x384xi32>
    %iota3A_930 = tpu.iota {dimensions = array<i32: 0>} : vector<200x1xi32>
    %eq3A_931 = vector.broadcast %iota3A_930 : vector<200x1xi32> to vector<200x384xi32>
    %eq3A_932 = vector.broadcast %convert_element_type3A_920 : vector<1x384xi32> to vector<200x384xi32>
    %eq3A_933 = arith.cmpi eq, %eq3A_931, %eq3A_932 : vector<200x384xi32>
    %eq3A_934 = arith.constant 1 : i32
    %eq3A_935 = vector.broadcast %eq3A_934 : i32 to vector<1x384xi32>
    %eq3A_936 = arith.cmpi eq, %add3A_910, %eq3A_935 : vector<1x384xi32>
    %and3A_937 = vector.broadcast %eq3A_936 : vector<1x384xi1> to vector<200x384xi1>
    %and3A_938 = arith.andi %eq3A_933, %and3A_937 : vector<200x384xi1>
    %convert_element_type3A_939 = arith.extui %and3A_938 : vector<200x384xi1> to vector<200x384xi32>
    %mul3A_940 = vector.broadcast %add3A_904 : vector<1x384xi32> to vector<200x384xi32>
    %mul3A_941 = arith.muli %convert_element_type3A_939, %mul3A_940 : vector<200x384xi32>
    %reduce_sum3A_942 = arith.constant dense<0> : vector<200xi32>
    %reduce_sum3A_943 = vector.multi_reduction <add>, %mul3A_941, %reduce_sum3A_942 [1] : vector<200x384xi32> to vector<200xi32>
    %broadcast_in_dim3A_944 = vector.shape_cast %reduce_sum3A_943 : vector<200xi32> to vector<200x1xi32>
    %reduce_sum3A_945 = vector.shape_cast %add3A_910 : vector<1x384xi32> to vector<1x1x384xi32>
    %reduce_sum3A_946 = arith.constant dense<0> : vector<1xi32>
    %reduce_sum3A_947 = vector.multi_reduction <add>, %reduce_sum3A_945, %reduce_sum3A_946 [1, 2] : vector<1x1x384xi32> to vector<1xi32>
    %reduce_sum3A_948 = vector.shape_cast %reduce_sum3A_947 : vector<1xi32> to vector<1x1x1xi32>
    %reduce_sum3A_949 = vector.extract %reduce_sum3A_948[0, 0, 0] : i32 from vector<1x1x1xi32>
    %lt3A_950 = vector.broadcast %reduce_sum3A_949 : i32 to vector<200x1xi32>
    %lt3A_951 = arith.cmpi slt, %iota3A_930, %lt3A_950 : vector<200x1xi32>
    %add3A_952 = arith.constant 3 : i32
    %add3A_953 = vector.broadcast %add3A_952 : i32 to vector<200x1xi32>
    %add3A_954 = arith.addi %iota3A_930, %add3A_953 : vector<200x1xi32>
    %select_n3A_955 = arith.select %lt3A_951, %broadcast_in_dim3A_944, %add3A_954 : vector<200x1xi1>, vector<200x1xi32>
    %swap3A_956 = arith.constant 1 : index
    %swap3A_957 = arith.constant 0 : index
    %swap3A_958 = arith.constant 0 : index
    %swap3A_959 = vector.load %arg5[%swap3A_956, %swap3A_957, %swap3A_958] : memref<2x1x384xi32, #tpu.memory_space<vmem>>, vector<1x1x384xi32>
    %swap3A_960 = vector.shape_cast %swap3A_959 : vector<1x1x384xi32> to vector<1x384xi32>
    %swap3A_961 = vector.shape_cast %select_n3A_929 : vector<1x384xi32> to vector<1x1x384xi32>
    tpu.vector_store %arg5[%swap3A_956, %swap3A_957, %swap3A_958], %swap3A_961 {strides = array<i32>} : memref<2x1x384xi32, #tpu.memory_space<vmem>>, vector<1x1x384xi32>,
    %swap3A_962 = arith.constant 1 : index
    %swap3A_963 = arith.constant 0 : index
    %swap3A_964 = arith.constant 0 : index
    %swap3A_965 = vector.load %arg6[%swap3A_962, %swap3A_963, %swap3A_964] : memref<2x1x384xi32, #tpu.memory_space<vmem>>, vector<1x1x384xi32>
    %swap3A_966 = vector.shape_cast %swap3A_965 : vector<1x1x384xi32> to vector<1x384xi32>
    %swap3A_967 = vector.shape_cast %add3A_904 : vector<1x384xi32> to vector<1x1x384xi32>
    tpu.vector_store %arg6[%swap3A_962, %swap3A_963, %swap3A_964], %swap3A_967 {strides = array<i32>} : memref<2x1x384xi32, #tpu.memory_space<vmem>>, vector<1x1x384xi32>,
    %convert_element_type3A_968 = arith.extui %and3A_916 : vector<1x384xi1> to vector<1x384xi32>
    %convert_element_type3A_969 = arith.sitofp %convert_element_type3A_968 : vector<1x384xi32> to vector<1x384xf32>
    %swap3A_970 = arith.constant 1 : index
    %swap3A_971 = arith.constant 0 : index
    %swap3A_972 = arith.constant 0 : index
    %swap3A_973 = vector.load %arg7[%swap3A_970, %swap3A_971, %swap3A_972] : memref<2x1x384xf32, #tpu.memory_space<vmem>>, vector<1x1x384xf32>
    %swap3A_974 = vector.shape_cast %swap3A_973 : vector<1x1x384xf32> to vector<1x384xf32>
    %swap3A_975 = vector.shape_cast %convert_element_type3A_969 : vector<1x384xf32> to vector<1x1x384xf32>
    tpu.vector_store %arg7[%swap3A_970, %swap3A_971, %swap3A_972], %swap3A_975 {strides = array<i32>} : memref<2x1x384xf32, #tpu.memory_space<vmem>>, vector<1x1x384xf32>,
    %swap3A_976 = arith.constant 0 : index
    %swap3A_977 = arith.constant 0 : index
    %swap3A_978 = vector.load %arg9[%swap3A_976, %swap3A_977] : memref<200x1xi32, #tpu.memory_space<vmem>>, vector<200x1xi32>
    tpu.vector_store %arg9[%swap3A_976, %swap3A_977], %select_n3A_955 {strides = array<i32>} : memref<200x1xi32, #tpu.memory_space<vmem>>, vector<200x1xi32>,
    return
  }
}

module attributes {stable_mosaic.version = 14 : i64} {
  func.func @_lse_body(%arg0: i32, %arg1: memref<512x1024xf32, #tpu.memory_space<vmem>>, %arg2: memref<3200x1024xf32, #tpu.memory_space<vmem>>, %arg3: memref<512x1xf32, #tpu.memory_space<vmem>>, %arg4: memref<512x1xf32, #tpu.memory_space<vmem>>, %arg5: memref<512x1024xbf16, #tpu.memory_space<vmem>>) attributes {dimension_semantics = [#tpu.dimension_semantics<arbitrary>], iteration_bounds = array<i64: 10>, scalar_prefetch = 0 : i64, scratch_operands = 2 : i64, tpu.core_type = #tpu.core_type<tc>, window_params = [{pipeline_mode = #tpu.pipeline_mode<synchronous>, transform_indices = @transform_0, window_bounds = array<i64: 512, 1024>}, {transform_indices = @transform_1, window_bounds = array<i64: 3200, 1024>}, {pipeline_mode = #tpu.pipeline_mode<synchronous>, transform_indices = @transform_2, window_bounds = array<i64: 512, 1>}]} {
    %eq3A = arith.constant 0 : i32
    %eq3A_0 = arith.cmpi eq, %arg0, %eq3A : i32
    %convert_element_type3A = arith.extui %eq3A_0 : i1 to i32
    %cond3A = arith.constant 0 : i32
    %cond3A_1 = arith.cmpi ne, %convert_element_type3A, %cond3A : i32
    scf.if %cond3A_1 {
      %broadcast_in_dim3A_20 = arith.constant 0.000000e+00 : f32
      %broadcast_in_dim3A_21 = vector.broadcast %broadcast_in_dim3A_20 : f32 to vector<512x1xf32>
      %swap3A_22 = arith.constant 0 : index
      %swap3A_23 = arith.constant 0 : index
      %swap3A_24 = vector.load %arg4[%swap3A_22, %swap3A_23] : memref<512x1xf32, #tpu.memory_space<vmem>>, vector<512x1xf32>
      tpu.vector_store %arg4[%swap3A_22, %swap3A_23], %broadcast_in_dim3A_21 {strides = array<i32>} : memref<512x1xf32, #tpu.memory_space<vmem>>, vector<512x1xf32>,
      %get3A_25 = arith.constant 0 : index
      %get3A_26 = arith.constant 0 : index
      %get3A_27 = vector.load %arg1[%get3A_25, %get3A_26] : memref<512x1024xf32, #tpu.memory_space<vmem>>, vector<512x1024xf32>
      %convert_element_type3A_28 = arith.truncf %get3A_27 : vector<512x1024xf32> to vector<512x1024xbf16>
      %swap3A_29 = arith.constant 0 : index
      %swap3A_30 = arith.constant 0 : index
      %swap3A_31 = vector.load %arg5[%swap3A_29, %swap3A_30] : memref<512x1024xbf16, #tpu.memory_space<vmem>>, vector<512x1024xbf16>
      tpu.vector_store %arg5[%swap3A_29, %swap3A_30], %convert_element_type3A_28 {strides = array<i32>} : memref<512x1024xbf16, #tpu.memory_space<vmem>>, vector<512x1024xbf16>,
    } else {
    }
    %get3A = arith.constant 0 : index
    %get3A_2 = arith.constant 0 : index
    %get3A_3 = vector.load %arg5[%get3A, %get3A_2] : memref<512x1024xbf16, #tpu.memory_space<vmem>>, vector<512x1024xbf16>
    %get3A_4 = arith.constant 0 : index
    %get3A_5 = arith.constant 0 : index
    %get3A_6 = vector.load %arg2[%get3A_4, %get3A_5] : memref<3200x1024xf32, #tpu.memory_space<vmem>>, vector<3200x1024xf32>
    %convert_element_type3A_7 = arith.truncf %get3A_6 : vector<3200x1024xf32> to vector<3200x1024xbf16>
    %dot_general3A = arith.constant dense<0.000000e+00> : vector<512x3200xf32>
    %dot_general3A_8 = tpu.matmul %get3A_3, %convert_element_type3A_7, %dot_general3A {dimension_numbers = #tpu.dot_dimension_numbers<[1], [1], [0], [0], [0, 0, 1, 0], [], []>, transpose_lhs_hint = false} : vector<512x1024xbf16>, vector<3200x1024xbf16>, vector<512x3200xf32> -> vector<512x3200xf32>
    %get3A_9 = arith.constant 0 : index
    %get3A_10 = arith.constant 0 : index
    %get3A_11 = vector.load %arg4[%get3A_9, %get3A_10] : memref<512x1xf32, #tpu.memory_space<vmem>>, vector<512x1xf32>
    %exp3A = math.exp %dot_general3A_8 : vector<512x3200xf32>
    %reduce_sum3A = arith.constant dense<0.000000e+00> : vector<512xf32>
    %reduce_sum3A_12 = vector.multi_reduction <add>, %exp3A, %reduce_sum3A [1] : vector<512x3200xf32> to vector<512xf32>
    %broadcast_in_dim3A = vector.shape_cast %reduce_sum3A_12 : vector<512xf32> to vector<512x1xf32>
    %add3A = arith.addf %get3A_11, %broadcast_in_dim3A : vector<512x1xf32>
    %swap3A = arith.constant 0 : index
    %swap3A_13 = arith.constant 0 : index
    %swap3A_14 = vector.load %arg4[%swap3A, %swap3A_13] : memref<512x1xf32, #tpu.memory_space<vmem>>, vector<512x1xf32>
    tpu.vector_store %arg4[%swap3A, %swap3A_13], %add3A {strides = array<i32>} : memref<512x1xf32, #tpu.memory_space<vmem>>, vector<512x1xf32>,
    %eq3A_15 = arith.constant 9 : i32
    %eq3A_16 = arith.cmpi eq, %arg0, %eq3A_15 : i32
    %convert_element_type3A_17 = arith.extui %eq3A_16 : i1 to i32
    %cond3A_18 = arith.constant 0 : i32
    %cond3A_19 = arith.cmpi ne, %convert_element_type3A_17, %cond3A_18 : i32
    scf.if %cond3A_19 {
      %get3A_20 = arith.constant 0 : index
      %get3A_21 = arith.constant 0 : index
      %get3A_22 = vector.load %arg4[%get3A_20, %get3A_21] : memref<512x1xf32, #tpu.memory_space<vmem>>, vector<512x1xf32>
      %swap3A_23 = arith.constant 0 : index
      %swap3A_24 = arith.constant 0 : index
      %swap3A_25 = vector.load %arg3[%swap3A_23, %swap3A_24] : memref<512x1xf32, #tpu.memory_space<vmem>>, vector<512x1xf32>
      tpu.vector_store %arg3[%swap3A_23, %swap3A_24], %get3A_22 {strides = array<i32>} : memref<512x1xf32, #tpu.memory_space<vmem>>, vector<512x1xf32>,
    } else {
    }
    return
  }
  func.func @transform_0(%arg0: i32) -> (i32, i32) {
    %c0_i32 = arith.constant 0 : i32
    %c0_i32_0 = arith.constant 0 : i32
    %c0_i32_1 = arith.constant 0 : i32
    return %c0_i32, %c0_i32_0 : i32, i32
  }
  func.func @transform_1(%arg0: i32) -> (i32, i32) {
    %c0_i32 = arith.constant 0 : i32
    %c0_i32_0 = arith.constant 0 : i32
    return %arg0, %c0_i32 : i32, i32
  }
  func.func @transform_2(%arg0: i32) -> (i32, i32) {
    %c0_i32 = arith.constant 0 : i32
    %c0_i32_0 = arith.constant 0 : i32
    %c0_i32_1 = arith.constant 0 : i32
    return %c0_i32, %c0_i32_0 : i32, i32
  }
}

module attributes {stable_mosaic.version = 14 : i64} {
  func.func @_finalize_body(%arg0: memref<512x1xf32, #tpu.memory_space<vmem>>, %arg1: memref<512x1024xf32, #tpu.memory_space<vmem>>, %arg2: memref<768x1024xf32, #tpu.memory_space<vmem>>, %arg3: memref<768x1xi32, #tpu.memory_space<vmem>>, %arg4: memref<768x1xf32, #tpu.memory_space<vmem>>, %arg5: memref<1x1xf32, #tpu.memory_space<vmem>>) attributes {dimension_semantics = [], scalar_prefetch = 0 : i64, scratch_operands = 0 : i64, tpu.core_type = #tpu.core_type<tc>} {
    %iota3A = tpu.iota {dimensions = array<i32: 1>} : vector<1x512xi32>
    %get3A = arith.constant 0 : index
    %get3A_0 = arith.constant 0 : index
    %get3A_1 = vector.load %arg3[%get3A, %get3A_0] : memref<768x1xi32, #tpu.memory_space<vmem>>, vector<768x1xi32>
    %eq3A = vector.broadcast %get3A_1 : vector<768x1xi32> to vector<768x512xi32>
    %eq3A_2 = vector.broadcast %iota3A : vector<1x512xi32> to vector<768x512xi32>
    %eq3A_3 = arith.cmpi eq, %eq3A, %eq3A_2 : vector<768x512xi32>
    %convert_element_type3A = arith.extui %eq3A_3 : vector<768x512xi1> to vector<768x512xi32>
    %convert_element_type3A_4 = arith.sitofp %convert_element_type3A : vector<768x512xi32> to vector<768x512xf32>
    %get3A_5 = arith.constant 0 : index
    %get3A_6 = arith.constant 0 : index
    %get3A_7 = vector.load %arg1[%get3A_5, %get3A_6] : memref<512x1024xf32, #tpu.memory_space<vmem>>, vector<512x1024xf32>
    %dot_general3A = arith.constant dense<0.000000e+00> : vector<768x1024xf32>
    %dot_general3A_8 = tpu.matmul %convert_element_type3A_4, %get3A_7, %dot_general3A {dimension_numbers = #tpu.dot_dimension_numbers<[1], [0], [0], [1], [0, 0, 1, 1], [], []>, transpose_lhs_hint = false} : vector<768x512xf32>, vector<512x1024xf32>, vector<768x1024xf32> -> vector<768x1024xf32>
    %get3A_9 = arith.constant 0 : index
    %get3A_10 = arith.constant 0 : index
    %get3A_11 = vector.load %arg2[%get3A_9, %get3A_10] : memref<768x1024xf32, #tpu.memory_space<vmem>>, vector<768x1024xf32>
    %mul3A = arith.mulf %dot_general3A_8, %get3A_11 : vector<768x1024xf32>
    %reduce_sum3A = arith.constant dense<0.000000e+00> : vector<768xf32>
    %reduce_sum3A_12 = vector.multi_reduction <add>, %mul3A, %reduce_sum3A [1] : vector<768x1024xf32> to vector<768xf32>
    %broadcast_in_dim3A = vector.shape_cast %reduce_sum3A_12 : vector<768xf32> to vector<768x1xf32>
    %get3A_13 = arith.constant 0 : index
    %get3A_14 = arith.constant 0 : index
    %get3A_15 = vector.load %arg0[%get3A_13, %get3A_14] : memref<512x1xf32, #tpu.memory_space<vmem>>, vector<512x1xf32>
    %log3A = math.log %get3A_15 : vector<512x1xf32>
    %dot_general3A_16 = arith.constant dense<0.000000e+00> : vector<768x1xf32>
    %dot_general3A_17 = tpu.matmul %convert_element_type3A_4, %log3A, %dot_general3A_16 {dimension_numbers = #tpu.dot_dimension_numbers<[1], [0], [0], [1], [0, 0, 1, 1], [], []>, transpose_lhs_hint = false} : vector<768x512xf32>, vector<512x1xf32>, vector<768x1xf32> -> vector<768x1xf32>
    %sub3A = arith.subf %dot_general3A_17, %broadcast_in_dim3A : vector<768x1xf32>
    %get3A_18 = arith.constant 0 : index
    %get3A_19 = arith.constant 0 : index
    %get3A_20 = vector.load %arg4[%get3A_18, %get3A_19] : memref<768x1xf32, #tpu.memory_space<vmem>>, vector<768x1xf32>
    %mul3A_21 = arith.mulf %sub3A, %get3A_20 : vector<768x1xf32>
    %reduce_sum3A_22 = vector.shape_cast %mul3A_21 : vector<768x1xf32> to vector<1x768x1xf32>
    %reduce_sum3A_23 = arith.constant dense<0.000000e+00> : vector<1xf32>
    %reduce_sum3A_24 = vector.multi_reduction <add>, %reduce_sum3A_22, %reduce_sum3A_23 [1, 2] : vector<1x768x1xf32> to vector<1xf32>
    %reduce_sum3A_25 = vector.shape_cast %reduce_sum3A_24 : vector<1xf32> to vector<1x1x1xf32>
    %reduce_sum3A_26 = vector.extract %reduce_sum3A_25[0, 0, 0] : f32 from vector<1x1x1xf32>
    %reduce_sum3A_27 = vector.shape_cast %get3A_20 : vector<768x1xf32> to vector<1x768x1xf32>
    %reduce_sum3A_28 = arith.constant dense<0.000000e+00> : vector<1xf32>
    %reduce_sum3A_29 = vector.multi_reduction <add>, %reduce_sum3A_27, %reduce_sum3A_28 [1, 2] : vector<1x768x1xf32> to vector<1xf32>
    %reduce_sum3A_30 = vector.shape_cast %reduce_sum3A_29 : vector<1xf32> to vector<1x1x1xf32>
    %reduce_sum3A_31 = vector.extract %reduce_sum3A_30[0, 0, 0] : f32 from vector<1x1x1xf32>
    %max3A = arith.constant 1.000000e+00 : f32
    %max3A_32 = arith.maximumf %reduce_sum3A_31, %max3A : f32
    %div3A = arith.divf %reduce_sum3A_26, %max3A_32 : f32
    %reshape3A = vector.broadcast %div3A : f32 to vector<1x1xf32>
    %swap3A = arith.constant 0 : index
    %swap3A_33 = arith.constant 0 : index
    %swap3A_34 = vector.load %arg5[%swap3A, %swap3A_33] : memref<1x1xf32, #tpu.memory_space<vmem>>, vector<1x1xf32>
    tpu.vector_store %arg5[%swap3A, %swap3A_33], %reshape3A {strides = array<i32>} : memref<1x1xf32, #tpu.memory_space<vmem>>, vector<1x1xf32>,
    return
  }
}

</mosaic_0001>

<sc_bundles>
// kernel: kernel.10.cloned.1.call-start
scs
__scs_entry_jumppad:
0x0: {  	(pc) =	sbr.rel $0x88, $3  }
0x1: {  	(tag) =	ssettag $0x0;
	lr =	simm.s32 $0x1  }
0x2: {  	[smem:$0x3F9E] =	sst lr;
	_ =	strace $0xD0000000  }
0x3: {  	_ = 	snop  }
0x4: {  	_ = 	snop  }
0x5: {  	_ = 	snop  }
0x6: {  	_ = 	snop  }
0x7: {  	_ = 	snop  }
__scs_overlays_trampoline_lowered:
0x8: {  	[smem:$0x3FAD] =	sst s0  }
0x9: {  	[smem:$0x3FAE] =	sst s1  }
0xa: {  	[smem:$0x3FAF] =	sst s2  }
0xb: {  	[smem:$0x3FB0] =	sst s3  }
0xc: {  	[smem:$0x3FB1] =	sst s4  }
0xd: {  	[smem:$0x3FB2] =	sst s5  }
0xe: {  	[smem:$0x3FB3] =	sst s6  }
0xf: {  	[smem:$0x3FB4] =	sst s7  }
0x10: {  	[smem:$0x3FB5] =	sst s8  }
0x11: {  	[smem:$0x3FB6] =	sst s9;
	s0 =	simm.s32 @!p0 $0x0  }
0x12: {  	s1 =	sld [smem:$0x3F9C];
	s0 =	simm.s32 @p0 $0x1  }
0x13: {  	[smem:$0x3FB7] =	sst s0;
	s0 =	simm.s32 @!p1 $0x0  }
0x14: {  	s2 =	sld [smem:$0x3F9B];
	s0 =	simm.s32 @p1 $0x1  }
0x15: {  	[smem:$0x3FB8] =	sst s0;
	s0 =	simm.s32 @!p2 $0x0  }
0x16: {  	s3 =	sld [smem:$0x3FDB];
	s0 =	simm.s32 @p2 $0x1  }
0x17: {  	s4 =	simm.s32 $0x1BF5;
	[smem:$0x3FBA] =	sst s0  }
0x18: {  	s0 =	sld [smem:$0x3F9D];
	_ =	swait.ge [sflag:s4], $0x0  }
0x19: {  	s7 =	sld [smem:$0x3F9E]  }
0x1a: {  	s8 =	sadd.s32 $0xFFFFE003, lr  }
0x1b: {  	s9 =	sadd.s32 $0xFFFFFEF7, lr;
	s5 =	simm.s32 $0xFFFFFFFF;
	p2 =	slt.u32 s8, $0xFFFFF086  }
0x1c: {  	p1 =	slt.u32 s9, $0xF7A;
	s5 =	simm.s32 @!p2 $0x0  }
0x1d: {  	s5 =	simm.s32 @p1 $0x1;
	p0 =	seq.s32 s7, s2  }
0x1e: {  	s7 =	smul.u32 @!p0 $0xF7A, s2;
	p2 =	seq.s32 @!p0 s5, $0x0  }
0x1f: {  	s9 =	smul.u32 $0xF7A, s1;
	s8 =	simm.s32 @!p0 $0x1BF5;
	p2 =	por !p2, p0  }
0x20: {  	[sflag:s8] =	ssyncset.s32 @!p0 $0xFFFFF086;
	s6 =	sadd.s32 @!p0 s3, s7;
	s7 =	simm.s32 @!p0 $0x108  }
0x21: {  	s3 =	sadd.s32 s3, s9;
	s6 =	sadd.s32 @!p0 $0x88, s6;
	s7 =	simm.s32 @p2 $0x1082  }
0x22: {  	[simem:s7], [sflag:s8] =	dma.local @!p0 [hbm:s6], $0xF7A  }
0x23: {  	s9 =	sor.u32 $0xD0000000, s2;
	s6 =	simm.s32 $0x108;
	_ =	swait.ge @!p0 [sflag:s8], $0x0  }
0x24: {  	s3 =	sadd.s32 $0x88, s3;
	s6 =	simm.s32 @!p1 $0x1082;
	[sflag:s4] =	ssyncset.s32 $0xFFFFF086  }
0x25: {  	[simem:s6], [sflag:s4] =	dma.local [hbm:s3], $0xF7A  }
0x26: {  	[smem:$0x3F9E] =	sst s1;
	(tag) =	ssettag s2;
	_ =	strace s9  }
0x27: {  	s1 =	sld [smem:$0x3FAE]  }
0x28: {  	s2 =	sld [smem:$0x3FAF]  }
0x29: {  	s4 =	sld [smem:$0x3FB1]  }
0x2a: {  	p0 =	seq.s32 s5, $0x0;
	s5 =	sld [smem:$0x3FB2]  }
0x2b: {  	s6 =	sld [smem:$0x3FB3]  }
0x2c: {  	s7 =	sld [smem:$0x3FB4]  }
0x2d: {  	s3 =	simm.s32 $0x108;
	s8 =	sld [smem:$0x3FB5]  }
0x2e: {  	s3 =	simm.s32 @!p0 $0x1082;
	s9 =	sld [smem:$0x3FB6]  }
0x2f: {  	lr =	sadd.s32 s0, s3;
	s0 =	sld [smem:$0x3FAD]  }
0x30: {  	s3 =	sld [smem:$0x3FB0]  }
0x31: {  	[smem:$0x3FB9] =	sst s10  }
0x32: {  	s10 =	sld [smem:$0x3FB7];
	_ =	sdelay $0x3  }
0x33: {  	p0 =	seq.s32 s10, $0x1;
	s10 =	sld [smem:$0x3FB9];
	_ =	sdelay $0x3  }
0x34: {  	[smem:$0x3FB9] =	sst s10  }
0x35: {  	s10 =	sld [smem:$0x3FB8];
	_ =	sdelay $0x3  }
0x36: {  	p1 =	seq.s32 s10, $0x1;
	s10 =	sld [smem:$0x3FB9];
	_ =	sdelay $0x3  }
0x37: {  	[smem:$0x3FB9] =	sst s10  }
0x38: {  	s10 =	sld [smem:$0x3FBA]  }
0x39: {  	_ = 	snop;
	(pc) =	sbr.ind lr, $3  }
0x3a: {  	_ = 	snop  }
0x3b: {  	_ = 	snop  }
0x3c: {  	p2 =	seq.s32 s10, $0x1;
	s10 =	sld [smem:$0x3FB9]  }
0x3d: {  	_ =	shalt  }
0x3e: {  	_ =	shalt  }
0x3f: {  	_ =	shalt  }
0x40: {  	_ =	shalt  }
0x41: {  	_ =	shalt  }
0x42: {  	_ =	shalt  }
0x43: {  	_ =	shalt  }
0x44: {  	_ =	shalt  }
0x45: {  	_ =	shalt  }
0x46: {  	_ =	shalt  }
0x47: {  	_ =	shalt  }
0x48: {  	_ =	shalt  }
0x49: {  	_ =	shalt  }
0x4a: {  	_ =	shalt  }
0x4b: {  	_ =	shalt  }
0x4c: {  	_ =	shalt  }
0x4d: {  	_ =	shalt  }
0x4e: {  	_ =	shalt  }
0x4f: {  	_ =	shalt  }
0x50: {  	_ =	shalt  }
0x51: {  	_ =	shalt  }
0x52: {  	_ =	shalt  }
0x53: {  	_ =	shalt  }
0x54: {  	_ =	shalt  }
0x55: {  	_ =	shalt  }
0x56: {  	_ =	shalt  }
0x57: {  	_ =	shalt  }
0x58: {  	_ =	shalt  }
0x59: {  	_ =	shalt  }
0x5a: {  	_ =	shalt  }
0x5b: {  	_ =	shalt  }
0x5c: {  	_ =	shalt  }
0x5d: {  	_ =	shalt  }
0x5e: {  	_ =	shalt  }
0x5f: {  	_ =	shalt  }
0x60: {  	_ =	shalt  }
0x61: {  	_ =	shalt  }
0x62: {  	_ =	shalt  }
0x63: {  	_ =	shalt  }
0x64: {  	_ =	shalt  }
0x65: {  	_ =	shalt  }
0x66: {  	_ =	shalt  }
0x67: {  	_ =	shalt  }
0x68: {  	_ =	shalt  }
0x69: {  	_ =	shalt  }
0x6a: {  	_ =	shalt  }
0x6b: {  	_ =	shalt  }
0x6c: {  	_ =	shalt  }
0x6d: {  	_ =	shalt  }
0x6e: {  	_ =	shalt  }
0x6f: {  	_ =	shalt  }
0x70: {  	_ =	shalt  }
0x71: {  	_ =	shalt  }
0x72: {  	_ =	shalt  }
0x73: {  	_ =	shalt  }
0x74: {  	_ =	shalt  }
0x75: {  	_ =	shalt  }
0x76: {  	_ =	shalt  }
0x77: {  	_ =	shalt  }
0x78: {  	_ =	shalt  }
0x79: {  	_ =	shalt  }
0x7a: {  	_ =	shalt  }
0x7b: {  	_ =	shalt  }
0x7c: {  	_ =	shalt  }
0x7d: {  	_ =	shalt  }
0x7e: {  	_ =	shalt  }
0x7f: {  	_ =	shalt  }
0x80: {  	_ =	shalt  }
0x81: {  	_ =	shalt  }
0x82: {  	_ =	shalt  }
0x83: {  	_ =	shalt  }
0x84: {  	_ =	shalt  }
0x85: {  	_ =	shalt  }
0x86: {  	_ =	shalt  }
0x87: {  	_ =	shalt  }
.Lfunc_end0:
.L_simem_size_0:
called_computation.1_lowered:
.L_overlay_start_0:
0x88: {  	s2 =	sld [smem:$0x3FD9]  }
0x89: {  	s3 =	sld [smem:$0x3FFE];
	_ =	sdelay $0x1  }
0x8a: {  	s1 =	srdreg.scid  }
0x8b: {  	s0 =	sand.u32 $0x1, s1  }
0x8c: {  	s17 =	sshll.u32 s0, $0xA;
	s2 =	sadd.s32 s3, s2  }
0x8d: {  	s2 =	sadd.s32 s2, s17  }
0x8e: {  	[smem:$0x3FC5] =	sst s2  }
0x8f: {  	_ = 	snop  }
0x90: {  	s18 =	sld [smem:$0x3FC7];
	(tm) =	ssettm $0x1  }
0x91: {  	s19 =	sld [smem:$0x3FFB];
	_ =	sdelay $0x3  }
0x92: {  	_ =	strace s19  }
0x93: {  	s2 =	sld [smem:$0x3FFC];
	_ =	sdelay $0x3  }
0x94: {  	_ =	strace s2  }
0x95: {  	s2 =	sld [smem:$0x3FFD];
	_ =	sdelay $0x3  }
0x96: {  	_ =	strace s2  }
0x97: {  	_ =	strace $0x8FFFFFFF  }
0x98: {  	s20 =	sld [smem:$0x3FDB];
	_ =	sdelay $0x1  }
0x99: {  	s4 =	simm.s32 $_scs_section_size  }
0x9a: {  	s5 =	simm.s32 $_size__tile_overlayer_lowered;
	s6 =	simm.s32 $_tile_overlayer_lowered  }
0x9b: {  	s7 =	simm.s32 $0x1BFF;
	s21 =	sshll.u32 s6, $0x1;
	s4 =	sadd.s32 s4, s20  }
0x9c: {  	s22 =	simm.s32 $0x0;
	s5 =	sshll.u32 s5, $0x1;
	s6 =	sadd.s32 s21, s4  }
0x9d: {  	[timem:s22], [sflag:s7] =	dma.local [hbm:s6], s5  }
0x9e: {  	_ =	swait.ge [sflag:s7], s5  }
0x9f: {  	s5 =	ssub.s32 $0x0, s5;
	[sflag:s7] =	ssyncset.done $0x0  }
0xa0: {  	[sflag:s7] =	ssyncadd.s32 s5;
	_ =	sdelay $0x1  }
0xa1: {  	s23 =	simm.s32 $0x1B8B  }
0xa2: {  	_ =	swait.ge [sflag:s23], $0x1  }
0xa3: {  	[sflag:s23] =	ssyncset.done $0x0  }
0xa4: {  	[sflag:s23] =	ssyncadd.s32 $0xFFFFFFFF  }
0xa5: {  	s5 =	sld [smem:$0x0]  }
0xa6: {  	s6 =	sand.u32 $0xFFFFFFFE, s1  }
0xa7: {  	p0 =	sne.s32 s1, s6  }
0xa8: {  	s6 =	sshll.u32 @p0 s6, $0xE  }
0xa9: {  	s6 =	sadd.s32 @p0 $0x11B8D, s6;
	s7 =	sshll.u32 @p0 s5, $0x11  }
0xaa: {  	s6 =	sor.u32 @p0 s7, s6  }
0xab: {  	[sflag:s6] =	ssyncadd.remote.s32 @p0 $0x1;
	_ =	sdelay $0x1  }
0xac: {  	s6 =	simm.s32 @p0 $0x1B8D  }
0xad: {  	_ =	swait.eq @p0 [sflag:s6], $0x1  }
0xae: {  	[sflag:s6] =	ssyncadd.s32 @p0 $0xFFFFFFFF  }
0xaf: {  	s7 =	sshll.u32 @!p0 s1, $0xE  }
0xb0: {  	s7 =	sor.u32 @!p0 $0x4000, s7;
	s6 =	simm.s32 @!p0 $0x1B8D  }
0xb1: {  	s5 =	sshll.u32 @!p0 s5, $0x11;
	s7 =	sadd.s32 @!p0 $0x11B8D, s7;
	_ =	swait.eq @!p0 [sflag:s6], $0x1  }
0xb2: {  	s5 =	sor.u32 @!p0 s5, s7;
	[sflag:s6] =	ssyncadd.s32 @!p0 $0xFFFFFFFF  }
0xb3: {  	s25 =	simm.s32 $0x1B8E;
	s24 =	sld [smem:$0x3FFE];
	[sflag:s5] =	ssyncadd.remote.s32 @!p0 $0x1  }
0xb4: {  	s26 =	simm.s32 $execute0_lowered;
	[smem:$0x3FD2] =	sst s25  }
0xb5: {  	s6 =	sshll.u32 s26, $0x1;
	_ =	strace $0x80000049;
	[dreg:$0x1] =	wrdreg $0xFFFFFFFF  }
0xb6: {  	s28 =	simm.s32 $_size_execute0_lowered;
	s4 =	sadd.s32 s4, s6;
	[dreg:$0x0] =	wrdreg $0x0  }
0xb7: {  	s6 =	sshll.u32 s28, $0x1;
	[dreg:$0x2] =	wrdreg s4  }
0xb8: {  	[dreg:$0x3] =	wrdreg s6  }
0xb9: {  	[dreg:$0x4] =	wrdreg $0xC0  }
0xba: {  	_ =	task [dreg:s22], $0x5FFFF  }
0xbb: {  	[dreg:$0x1] =	wrdreg $0xFFFFFFFF  }
0xbc: {  	[dreg:$0x0] =	wrdreg $0x60  }
0xbd: {  	[dreg:$0x2] =	wrdreg s18  }
0xbe: {  	[dreg:$0x3] =	wrdreg s24  }
0xbf: {  	[dreg:$0x4] =	wrdreg $0xA  }
0xc0: {  	_ =	task.clear_ibuf [dreg:s22], $0x5FFFF;
	_ =	strace $0x90000049  }
0xc1: {  	s29 =	simm.s32 $0xA;
	_ =	strace $0x8000004B  }
0xc2: {  	_ =	swait.ge [sflag:s29], $0x1  }
0xc3: {  	[sflag:s29] =	ssyncadd.s32 $0xFFFFFFFF  }
0xc4: {  	_ =	strace $0x9000004B  }
0xc5: {  	_ =	sfence  }
0xc6: {  	s30 =	sld [smem:$0x0];
	_ =	sdelay $0x2  }
0xc7: {  	s31 =	sshll.u32 s1, $0xD;
	s1 =	sshrl.u32 s1, $0x2  }
0xc8: {  	s4 =	sand.u32 $0x4000, s31;
	s1 =	sadd.s32 s1, s30  }
0xc9: {  	s0 =	sor.u32 s4, s0;
	s1 =	sshll.u32 s1, $0x11  }
0xca: {  	s0 =	sor.u32 s1, s0  }
0xcb: {  	s0 =	sadd.s32 $0x8F2B, s0  }
0xcc: {  	[sflag:s0] =	ssyncadd.remote.s32 $0x1  }
0xcd: {  	_ =	sfence.sel $0xFFFF  }
0xce: {  	[dreg:$0x0] =	wrdreg $0xFFFFFFFF;
	(pc) =	sbr.abs _section_cstart, $3  }
0xcf: {  	[dreg:$0x1] =	wrdreg $0xFFFFFFFF  }
0xd0: {  	_ =	task.clear_ibuf [dreg:s22], $0x2FFFF;
	_ =	strace $0x9FFFFFFF  }
0xd1: {  	(tm) =	ssettm $0x7FFFFFFF  }
tec
execute0_lowered:
.L_overlay_start_1:
0x0: {  	(tag) =	ssettag $0x1  }
0x1: {  	s1 =	srdreg.scid;
	s2 =	rddreg [dreg:$0x0]  }
0x2: {  	s0 =	stileid.u32;
	s5 =	rddreg [dreg:$0x1];
	s3 =	simm.s32 $0x0  }
0x3: {  	s10 =	simm.s32 $0x2;
	s11 =	simm.s32 $0x80;
	s12 =	simm.s32 $0x880  }
0x4: {  	s13 =	simm.s32 $0x1080;
	s14 =	simm.s32 $0x1880;
	s15 =	simm.s32 $0x2080  }
0x5: {  	s16 =	simm.s32 $0x2880;
	s17 =	simm.s32 $0x3080;
	s18 =	simm.s32 $0x3880  }
0x6: {  	s19 =	simm.s32 $0x4080;
	s4 =	sand.u32 $0x1, s1;
	s30 =	sshll.u32 s0, $0x1  }
0x7: {  	s20 =	simm.s32 $0x4880;
	s21 =	simm.s32 $0x5080;
	s6 =	sor.u32 s4, s30  }
0x8: {  	s22 =	simm.s32 $0x5880;
	s23 =	simm.s32 $0x1;
	s7 =	smul.u32 $0x3, s6  }
0x9: {  	[smem:$0x7FF] =	sst s3;
	s4 =	ssub.s32 $0x2, s4;
	s6 =	smul.u32 $0xC00, s6  }
0xa: {  	s1 =	rddreg [dreg:$0x2];
	_ =	strace $0x8000004A;
	s31 =	sshrl.u32 s4, $0x1  }
0xb: {  	v2 =	vlaneseq.u32;
	s9 =	ssub.s32 s4, s31;
	s7 =	sadd.s32 s7, s5;
	s8 =	sadd.s32 s6, s5  }
0xc: {  	vm0 =	vmmov $0xffff;
	v1 =	vshrl.u32 v2, $0x3;
	s5 =	sadd.s32 $0x100, s2;
	s6 =	sadd.s32 $0x200, s2;
	s9 =	smax.u32 s9, $0x1  }
0xd: {  	v0 =	vand.u32 $0x7, v2;
	v2 =	vor.u32 $0x8, v2;
	v1 =	vmul.u32 $0x8, v1;
	s4 =	sadd.s32 $0x11C00, s7;
	s7 =	sadd.s32 $0x300, s2;
	s8 =	sadd.s32 $0x11E00, s8  }
.LBB2_1:
0xe: {  	[tilespmem:s3], [sflag:$0x2] =	stream.linear.gather [hbm4b:s4+s3], $0x18, $0x38;
	[tilespmem:$0x6080] =	vst v63  }
0xf: {  	_ =	swait.ge [sflag:s10], $0x18  }
0x10: {  	[sflag:s10] =	ssyncset.done $0x0  }
0x11: {  	[sflag:s10] =	ssyncadd.s32 $0xFFFFFFE8  }
0x12: {  	v3 =	vld [tilespmem:$0x0];
	_ =	sdelay $0x4  }
0x13: {  	v4 =	vshll.u32 v3, $0x3  }
0x14: {  	v3 =	vand.u32 $0x7, v3;
	v4 =	vand.u32 $0xFFFFFFC0, v4  }
0x15: {  	v3 =	vor.u32 v3, v4  }
0x16: {  	v4 =	vperm.xlane v3, v0;
	_ =	sdelay $0x1  }
0x17: {  	v4 =	vadd.s32 v1, v4;
	_ =	sdelay $0x4  }
0x18: {  	[tilespmem:s11], [sflag:$0x1] =	stream.indirect_vreg.gather [hbm4b:s2+s3], $0x80, v4, vm0, $0xb8;
	[tilespmem:$0x6080] =	vst v63  }
0x19: {  	v3 =	vperm.xlane v3, v2  }
0x1a: {  	[tilespmem:s12], [sflag:$0x1] =	stream.indirect_vreg.gather [hbm4b:s5+s3], $0x80, v4, vm0, $0xb8;
	[tilespmem:$0x6080] =	vst v63  }
0x1b: {  	v3 =	vadd.s32 v1, v3  }
0x1c: {  	[tilespmem:s13], [sflag:$0x1] =	stream.indirect_vreg.gather [hbm4b:s6+s3], $0x80, v4, vm0, $0xb8;
	[tilespmem:$0x6080] =	vst v63  }
0x1d: {  	_ = 	snop  }
0x1e: {  	[tilespmem:s14], [sflag:$0x1] =	stream.indirect_vreg.gather [hbm4b:s7+s3], $0x80, v4, vm0, $0xb8;
	[tilespmem:$0x6080] =	vst v63  }
0x1f: {  	_ = 	snop  }
0x20: {  	[tilespmem:s15], [sflag:$0x1] =	stream.indirect_vreg.gather [hbm4b:s2+s3], $0x80, v3, vm0, $0xb8;
	[tilespmem:$0x6080] =	vst v63  }
0x21: {  	_ = 	snop  }
0x22: {  	[tilespmem:s16], [sflag:$0x1] =	stream.indirect_vreg.gather [hbm4b:s5+s3], $0x80, v3, vm0, $0xb8;
	[tilespmem:$0x6080] =	vst v63  }
0x23: {  	_ = 	snop  }
0x24: {  	[tilespmem:s17], [sflag:$0x1] =	stream.indirect_vreg.gather [hbm4b:s6+s3], $0x80, v3, vm0, $0xb8;
	[tilespmem:$0x6080] =	vst v63  }
0x25: {  	_ = 	snop  }
0x26: {  	[tilespmem:s18], [sflag:$0x1] =	stream.indirect_vreg.gather [hbm4b:s7+s3], $0x80, v3, vm0, $0xb8;
	[tilespmem:$0x6080] =	vst v63  }
0x27: {  	v3 =	vld.msk [tilespmem:$0x10], $0xff;
	_ =	sdelay $0x4  }
0x28: {  	v63 =	vshll.u32 v3, $0x3  }
0x29: {  	v3 =	vand.u32 $0x7, v3;
	v4 =	vand.u32 $0xFFFFFFC0, v63  }
0x2a: {  	v3 =	vor.u32 v3, v4  }
0x2b: {  	v3 =	vperm.xlane v3, v0;
	_ =	sdelay $0x1  }
0x2c: {  	v3 =	vadd.s32 v1, v3;
	_ =	sdelay $0x4  }
0x2d: {  	[tilespmem:s19], [sflag:$0x1] =	stream.indirect_vreg.gather [hbm4b:s2+s3], $0x80, v3, vm0, $0xb8;
	[tilespmem:$0x6080] =	vst v63  }
0x2e: {  	_ = 	snop  }
0x2f: {  	[tilespmem:s20], [sflag:$0x1] =	stream.indirect_vreg.gather [hbm4b:s5+s3], $0x80, v3, vm0, $0xb8;
	[tilespmem:$0x6080] =	vst v63  }
0x30: {  	_ = 	snop  }
0x31: {  	[tilespmem:s21], [sflag:$0x1] =	stream.indirect_vreg.gather [hbm4b:s6+s3], $0x80, v3, vm0, $0xb8;
	[tilespmem:$0x6080] =	vst v63  }
0x32: {  	_ = 	snop  }
0x33: {  	[tilespmem:s22], [sflag:$0x1] =	stream.indirect_vreg.gather [hbm4b:s7+s3], $0x80, v3, vm0, $0xb8;
	[tilespmem:$0x6080] =	vst v63  }
0x34: {  	_ =	swait.ge [sflag:s23], $0x6000  }
0x35: {  	p0 =	sne.s32 s9, $0x1;
	[sflag:s23] =	ssyncset.done $0x0  }
.Ltmp0:
0x36: {  	[sflag:s23] =	ssyncadd.s32 $0xFFFFA000;
	(pc) =	sbr.rel @p0 .LBB2_1-.Ltmp0, $4  }
0x37: {  	[hbm4b:s8+s3] =	stream.linear.scatter [tilespmem:s11], [sflag:$0x2], $0x6000, $0x38;
	[tilespmem:$0x6080] =	vst v63  }
0x38: {  	_ =	swait.ge [sflag:s10], $0x6000  }
0x39: {  	[sflag:s10] =	ssyncset.done $0x0  }
0x3a: {  	s9 =	sadd.s32 $0xFFFFFFFF, s9;
	[sflag:s10] =	ssyncadd.s32 $0xFFFFA000  }
0x3b: {  	_ =	sfence.sel $0x180000  }
0x3c: {  	[bflag:$0x0] =	sbarrier.arrive $0xFFFF  }
0x3d: {  	p0 =	sne.s32 s0, $0x0;
	_ =	strace $0x9000004A  }
0x3e: {  	s0 =	sadd.s32 @!p0 $0x100000, s1;
	[bflag:$0x2] =	sbarrier.arrive $0xFFFF  }
0x3f: {  	[sflag:s0] =	ssyncadd.tile.s32 @!p0 $0x1;
	_ =	shalt  }
.Lfunc_end2:
_tile_overlayer_lowered:
.L_overlay_start_2:
0x40: {  	(tag) =	ssettag $0x2  }
0x41: {  	s0 =	rddreg [dreg:$0x0];
	s2 =	stileid.u32  }
0x42: {  	s1 =	rddreg [dreg:$0x1];
	p0 =	sne.s32 s2, $0x0  }
0x43: {  	s3 =	rddreg [dreg:$0x2];
	[bflag:$0x3] =	sbarrier.arrive $0xFFFF;
	s2 =	simm.s32 @!p0 $0x1C02  }
0x44: {  	[timem:s3], [sflag:s2] =	dma.local @!p0 [hbm:s0], s1  }
0x45: {  	s0 =	simm.s32 @!p0 $0x2  }
0x46: {  	_ =	swait.ge @!p0 [sflag:s0], s1  }
0x47: {  	s1 =	ssub.s32 @!p0 $0x0, s1;
	[sflag:s0] =	ssyncset.done @!p0 $0x0  }
0x48: {  	[sflag:s0] =	ssyncadd.s32 @!p0 s1  }
0x49: {  	[bflag:$0x3] =	sbarrier.arrive $0xFFFF  }
0x4a: {  	_ =	shalt  }

// kernel: kernel.7.cloned.1.call-start
scs
__scs_entry_jumppad:
0x0: {  	(pc) =	sbr.rel $0x88, $3  }
0x1: {  	(tag) =	ssettag $0x0;
	lr =	simm.s32 $0x1  }
0x2: {  	[smem:$0x3F9E] =	sst lr;
	_ =	strace $0xD0000000  }
0x3: {  	_ = 	snop  }
0x4: {  	_ = 	snop  }
0x5: {  	_ = 	snop  }
0x6: {  	_ = 	snop  }
0x7: {  	_ = 	snop  }
__scs_overlays_trampoline_lowered:
0x8: {  	[smem:$0x3FAD] =	sst s0  }
0x9: {  	[smem:$0x3FAE] =	sst s1  }
0xa: {  	[smem:$0x3FAF] =	sst s2  }
0xb: {  	[smem:$0x3FB0] =	sst s3  }
0xc: {  	[smem:$0x3FB1] =	sst s4  }
0xd: {  	[smem:$0x3FB2] =	sst s5  }
0xe: {  	[smem:$0x3FB3] =	sst s6  }
0xf: {  	[smem:$0x3FB4] =	sst s7  }
0x10: {  	[smem:$0x3FB5] =	sst s8  }
0x11: {  	[smem:$0x3FB6] =	sst s9;
	s0 =	simm.s32 @!p0 $0x0  }
0x12: {  	s1 =	sld [smem:$0x3F9C];
	s0 =	simm.s32 @p0 $0x1  }
0x13: {  	[smem:$0x3FB7] =	sst s0;
	s0 =	simm.s32 @!p1 $0x0  }
0x14: {  	s2 =	sld [smem:$0x3F9B];
	s0 =	simm.s32 @p1 $0x1  }
0x15: {  	[smem:$0x3FB8] =	sst s0;
	s0 =	simm.s32 @!p2 $0x0  }
0x16: {  	s3 =	sld [smem:$0x3FDB];
	s0 =	simm.s32 @p2 $0x1  }
0x17: {  	s4 =	simm.s32 $0x1BF5;
	[smem:$0x3FBA] =	sst s0  }
0x18: {  	s0 =	sld [smem:$0x3F9D];
	_ =	swait.ge [sflag:s4], $0x0  }
0x19: {  	s7 =	sld [smem:$0x3F9E]  }
0x1a: {  	s8 =	sadd.s32 $0xFFFFE003, lr  }
0x1b: {  	s9 =	sadd.s32 $0xFFFFFEF7, lr;
	s5 =	simm.s32 $0xFFFFFFFF;
	p2 =	slt.u32 s8, $0xFFFFF086  }
0x1c: {  	p1 =	slt.u32 s9, $0xF7A;
	s5 =	simm.s32 @!p2 $0x0  }
0x1d: {  	s5 =	simm.s32 @p1 $0x1;
	p0 =	seq.s32 s7, s2  }
0x1e: {  	s7 =	smul.u32 @!p0 $0xF7A, s2;
	p2 =	seq.s32 @!p0 s5, $0x0  }
0x1f: {  	s9 =	smul.u32 $0xF7A, s1;
	s8 =	simm.s32 @!p0 $0x1BF5;
	p2 =	por !p2, p0  }
0x20: {  	[sflag:s8] =	ssyncset.s32 @!p0 $0xFFFFF086;
	s6 =	sadd.s32 @!p0 s3, s7;
	s7 =	simm.s32 @!p0 $0x108  }
0x21: {  	s3 =	sadd.s32 s3, s9;
	s6 =	sadd.s32 @!p0 $0x88, s6;
	s7 =	simm.s32 @p2 $0x1082  }
0x22: {  	[simem:s7], [sflag:s8] =	dma.local @!p0 [hbm:s6], $0xF7A  }
0x23: {  	s9 =	sor.u32 $0xD0000000, s2;
	s6 =	simm.s32 $0x108;
	_ =	swait.ge @!p0 [sflag:s8], $0x0  }
0x24: {  	s3 =	sadd.s32 $0x88, s3;
	s6 =	simm.s32 @!p1 $0x1082;
	[sflag:s4] =	ssyncset.s32 $0xFFFFF086  }
0x25: {  	[simem:s6], [sflag:s4] =	dma.local [hbm:s3], $0xF7A  }
0x26: {  	[smem:$0x3F9E] =	sst s1;
	(tag) =	ssettag s2;
	_ =	strace s9  }
0x27: {  	s1 =	sld [smem:$0x3FAE]  }
0x28: {  	s2 =	sld [smem:$0x3FAF]  }
0x29: {  	s4 =	sld [smem:$0x3FB1]  }
0x2a: {  	p0 =	seq.s32 s5, $0x0;
	s5 =	sld [smem:$0x3FB2]  }
0x2b: {  	s6 =	sld [smem:$0x3FB3]  }
0x2c: {  	s7 =	sld [smem:$0x3FB4]  }
0x2d: {  	s3 =	simm.s32 $0x108;
	s8 =	sld [smem:$0x3FB5]  }
0x2e: {  	s3 =	simm.s32 @!p0 $0x1082;
	s9 =	sld [smem:$0x3FB6]  }
0x2f: {  	lr =	sadd.s32 s0, s3;
	s0 =	sld [smem:$0x3FAD]  }
0x30: {  	s3 =	sld [smem:$0x3FB0]  }
0x31: {  	[smem:$0x3FB9] =	sst s10  }
0x32: {  	s10 =	sld [smem:$0x3FB7];
	_ =	sdelay $0x3  }
0x33: {  	p0 =	seq.s32 s10, $0x1;
	s10 =	sld [smem:$0x3FB9];
	_ =	sdelay $0x3  }
0x34: {  	[smem:$0x3FB9] =	sst s10  }
0x35: {  	s10 =	sld [smem:$0x3FB8];
	_ =	sdelay $0x3  }
0x36: {  	p1 =	seq.s32 s10, $0x1;
	s10 =	sld [smem:$0x3FB9];
	_ =	sdelay $0x3  }
0x37: {  	[smem:$0x3FB9] =	sst s10  }
0x38: {  	s10 =	sld [smem:$0x3FBA]  }
0x39: {  	_ = 	snop;
	(pc) =	sbr.ind lr, $3  }
0x3a: {  	_ = 	snop  }
0x3b: {  	_ = 	snop  }
0x3c: {  	p2 =	seq.s32 s10, $0x1;
	s10 =	sld [smem:$0x3FB9]  }
0x3d: {  	_ =	shalt  }
0x3e: {  	_ =	shalt  }
0x3f: {  	_ =	shalt  }
0x40: {  	_ =	shalt  }
0x41: {  	_ =	shalt  }
0x42: {  	_ =	shalt  }
0x43: {  	_ =	shalt  }
0x44: {  	_ =	shalt  }
0x45: {  	_ =	shalt  }
0x46: {  	_ =	shalt  }
0x47: {  	_ =	shalt  }
0x48: {  	_ =	shalt  }
0x49: {  	_ =	shalt  }
0x4a: {  	_ =	shalt  }
0x4b: {  	_ =	shalt  }
0x4c: {  	_ =	shalt  }
0x4d: {  	_ =	shalt  }
0x4e: {  	_ =	shalt  }
0x4f: {  	_ =	shalt  }
0x50: {  	_ =	shalt  }
0x51: {  	_ =	shalt  }
0x52: {  	_ =	shalt  }
0x53: {  	_ =	shalt  }
0x54: {  	_ =	shalt  }
0x55: {  	_ =	shalt  }
0x56: {  	_ =	shalt  }
0x57: {  	_ =	shalt  }
0x58: {  	_ =	shalt  }
0x59: {  	_ =	shalt  }
0x5a: {  	_ =	shalt  }
0x5b: {  	_ =	shalt  }
0x5c: {  	_ =	shalt  }
0x5d: {  	_ =	shalt  }
0x5e: {  	_ =	shalt  }
0x5f: {  	_ =	shalt  }
0x60: {  	_ =	shalt  }
0x61: {  	_ =	shalt  }
0x62: {  	_ =	shalt  }
0x63: {  	_ =	shalt  }
0x64: {  	_ =	shalt  }
0x65: {  	_ =	shalt  }
0x66: {  	_ =	shalt  }
0x67: {  	_ =	shalt  }
0x68: {  	_ =	shalt  }
0x69: {  	_ =	shalt  }
0x6a: {  	_ =	shalt  }
0x6b: {  	_ =	shalt  }
0x6c: {  	_ =	shalt  }
0x6d: {  	_ =	shalt  }
0x6e: {  	_ =	shalt  }
0x6f: {  	_ =	shalt  }
0x70: {  	_ =	shalt  }
0x71: {  	_ =	shalt  }
0x72: {  	_ =	shalt  }
0x73: {  	_ =	shalt  }
0x74: {  	_ =	shalt  }
0x75: {  	_ =	shalt  }
0x76: {  	_ =	shalt  }
0x77: {  	_ =	shalt  }
0x78: {  	_ =	shalt  }
0x79: {  	_ =	shalt  }
0x7a: {  	_ =	shalt  }
0x7b: {  	_ =	shalt  }
0x7c: {  	_ =	shalt  }
0x7d: {  	_ =	shalt  }
0x7e: {  	_ =	shalt  }
0x7f: {  	_ =	shalt  }
0x80: {  	_ =	shalt  }
0x81: {  	_ =	shalt  }
0x82: {  	_ =	shalt  }
0x83: {  	_ =	shalt  }
0x84: {  	_ =	shalt  }
0x85: {  	_ =	shalt  }
0x86: {  	_ =	shalt  }
0x87: {  	_ =	shalt  }
.Lfunc_end0:
.L_simem_size_0:
called_computation_lowered:
.L_overlay_start_0:
0x88: {  	s2 =	sld [smem:$0x3FD9]  }
0x89: {  	s3 =	sld [smem:$0x3FFE];
	_ =	sdelay $0x1  }
0x8a: {  	s1 =	srdreg.scid  }
0x8b: {  	s0 =	sand.u32 $0x1, s1  }
0x8c: {  	s17 =	sshll.u32 s0, $0xA;
	s2 =	sadd.s32 s3, s2  }
0x8d: {  	s2 =	sadd.s32 s2, s17  }
0x8e: {  	[smem:$0x3FC5] =	sst s2  }
0x8f: {  	_ = 	snop  }
0x90: {  	s2 =	sld [smem:$0x3FC8];
	(tm) =	ssettm $0x1  }
0x91: {  	s18 =	sld [smem:$0x3FFB];
	_ =	sdelay $0x3  }
0x92: {  	_ =	strace s18  }
0x93: {  	s3 =	sld [smem:$0x3FFC];
	_ =	sdelay $0x3  }
0x94: {  	_ =	strace s3  }
0x95: {  	s3 =	sld [smem:$0x3FFD];
	_ =	sdelay $0x3  }
0x96: {  	_ =	strace s3  }
0x97: {  	_ =	strace $0x8FFFFFFF  }
0x98: {  	s19 =	sld [smem:$0x3FDB];
	_ =	sdelay $0x1  }
0x99: {  	s4 =	simm.s32 $_scs_section_size  }
0x9a: {  	s5 =	simm.s32 $_size__tile_overlayer_lowered;
	s6 =	simm.s32 $_tile_overlayer_lowered  }
0x9b: {  	s22 =	simm.s32 $0x1BFF;
	s21 =	sshll.u32 s6, $0x1;
	s3 =	sadd.s32 s4, s19  }
0x9c: {  	s7 =	simm.s32 $0x0;
	s20 =	sshll.u32 s5, $0x1;
	s5 =	sadd.s32 s21, s3  }
0x9d: {  	[timem:s7], [sflag:s22] =	dma.local [hbm:s5], s20  }
0x9e: {  	_ =	swait.ge [sflag:s22], s20  }
0x9f: {  	s4 =	ssub.s32 $0x0, s20;
	[sflag:s22] =	ssyncset.done $0x0  }
0xa0: {  	[sflag:s22] =	ssyncadd.s32 s4;
	_ =	sdelay $0x1  }
0xa1: {  	s23 =	simm.s32 $0x1B8B  }
0xa2: {  	_ =	swait.ge [sflag:s23], $0x1  }
0xa3: {  	[sflag:s23] =	ssyncset.done $0x0  }
0xa4: {  	s25 =	simm.s32 $0x1B8E;
	s24 =	sld [smem:$0x3FFE];
	[sflag:s23] =	ssyncadd.s32 $0xFFFFFFFF  }
0xa5: {  	s26 =	simm.s32 $execute0_lowered;
	[smem:$0x3FD2] =	sst s25  }
0xa6: {  	s5 =	sshll.u32 s26, $0x1;
	_ =	strace $0x80000046;
	[dreg:$0x1] =	wrdreg $0xFFFFFFFF  }
0xa7: {  	s28 =	simm.s32 $_size_execute0_lowered;
	s3 =	sadd.s32 s3, s5;
	[dreg:$0x0] =	wrdreg $0x0  }
0xa8: {  	s5 =	sshll.u32 s28, $0x1;
	[dreg:$0x2] =	wrdreg s3  }
0xa9: {  	[dreg:$0x3] =	wrdreg s5  }
0xaa: {  	[dreg:$0x4] =	wrdreg $0xC0  }
0xab: {  	_ =	task [dreg:s7], $0x5FFFF  }
0xac: {  	[dreg:$0x1] =	wrdreg $0xFFFFFFFF  }
0xad: {  	[dreg:$0x0] =	wrdreg $0x60  }
0xae: {  	[dreg:$0x2] =	wrdreg s2  }
0xaf: {  	[dreg:$0x3] =	wrdreg s24  }
0xb0: {  	[dreg:$0x4] =	wrdreg $0x9  }
0xb1: {  	_ =	task.clear_ibuf [dreg:s7], $0x5FFFF;
	_ =	strace $0x90000046  }
0xb2: {  	s29 =	simm.s32 $0x9;
	_ =	strace $0x80000048  }
0xb3: {  	_ =	swait.ge [sflag:s29], $0x1  }
0xb4: {  	[sflag:s29] =	ssyncadd.s32 $0xFFFFFFFF  }
0xb5: {  	_ =	strace $0x90000048  }
0xb6: {  	_ =	sfence  }
0xb7: {  	s30 =	sld [smem:$0x0];
	_ =	sdelay $0x2  }
0xb8: {  	s31 =	sshll.u32 s1, $0xD;
	s1 =	sshrl.u32 s1, $0x2  }
0xb9: {  	s3 =	sand.u32 $0x4000, s31;
	s1 =	sadd.s32 s1, s30  }
0xba: {  	s0 =	sor.u32 s3, s0;
	s1 =	sshll.u32 s1, $0x11  }
0xbb: {  	s0 =	sor.u32 s1, s0  }
0xbc: {  	s0 =	sadd.s32 $0x8F2B, s0  }
0xbd: {  	[sflag:s0] =	ssyncadd.remote.s32 $0x1  }
0xbe: {  	_ =	sfence.sel $0xFFFF  }
0xbf: {  	[dreg:$0x0] =	wrdreg $0xFFFFFFFF;
	(pc) =	sbr.abs _section_cstart, $3  }
0xc0: {  	[dreg:$0x1] =	wrdreg $0xFFFFFFFF  }
0xc1: {  	_ =	task.clear_ibuf [dreg:s7], $0x2FFFF;
	_ =	strace $0x9FFFFFFF  }
0xc2: {  	(tm) =	ssettm $0x7FFFFFFF  }
0xc3: {  	_ =	shalt  }
tec
execute0_lowered:
.L_overlay_start_1:
0x0: {  	(tag) =	ssettag $0x1  }
0x1: {  	s1 =	srdreg.scid  }
0x2: {  	s0 =	stileid.u32;
	s16 =	sand.u32 $0x1, s1  }
0x3: {  	s2 =	rddreg [dreg:$0x0];
	s30 =	sshll.u32 s0, $0x5;
	s3 =	sshll.u32 s16, $0x4  }
0x4: {  	s18 =	rddreg [dreg:$0x1];
	s19 =	sor.u32 s3, s30  }
0x5: {  	s1 =	rddreg [dreg:$0x2];
	s3 =	simm.s32 $0x0;
	s4 =	sshrl.u32 s19, $0x3  }
0x6: {  	[smem:$0x7FF] =	sst s3;
	s4 =	sadd.s32 s4, s18  }
0x7: {  	_ =	strace $0x80000047;
	s5 =	sadd.s32 $0x1A00, s4;
	s4 =	simm.s32 $0x2  }
0x8: {  	[tilespmem:s3], [sflag:$0x2] =	stream.linear.gather [hbm4b:s5+s3], $0x10, $0x38;
	[tilespmem:$0x4080] =	vst v63  }
0x9: {  	_ =	swait.ge [sflag:s4], $0x10  }
0xa: {  	[sflag:s4] =	ssyncset.done $0x0  }
0xb: {  	[sflag:s4] =	ssyncadd.s32 $0xFFFFFFF0  }
0xc: {  	v0 =	vld [tilespmem:$0x0];
	_ =	sdelay $0x4  }
0xd: {  	v1 =	vshll.u32 v0, $0x3  }
0xe: {  	v2 =	vlaneseq.u32;
	v3 =	vand.u32 $0x7, v0;
	v1 =	vand.u32 $0xFFFFFFC0, v1  }
0xf: {  	v4 =	vshrl.u32 v2, $0x3;
	v0 =	vand.u32 $0x7, v2;
	v3 =	vor.u32 v3, v1  }
0x10: {  	v1 =	vmul.u32 $0x8, v4;
	v63 =	vperm.xlane v3, v0;
	_ =	sdelay $0x1  }
0x11: {  	v4 =	vadd.s32 v1, v63;
	_ =	sdelay $0x3  }
0x12: {  	vm0 =	vmmov $0xffff;
	s6 =	simm.s32 $0x80  }
0x13: {  	v2 =	vor.u32 $0x8, v2;
	[tilespmem:s6], [sflag:$0x1] =	stream.indirect_vreg.gather [hbm4b:s2+s3], $0x80, v4, vm0, $0xb8;
	[tilespmem:$0x4080] =	vst v63  }
0x14: {  	s8 =	simm.s32 $0x880;
	s7 =	sadd.s32 $0x100, s2;
	v3 =	vperm.xlane v3, v2  }
0x15: {  	[tilespmem:s8], [sflag:$0x1] =	stream.indirect_vreg.gather [hbm4b:s7+s3], $0x80, v4, vm0, $0xb8;
	[tilespmem:$0x4080] =	vst v63  }
0x16: {  	s10 =	simm.s32 $0x1080;
	s9 =	sadd.s32 $0x200, s2;
	v3 =	vadd.s32 v1, v3  }
0x17: {  	[tilespmem:s10], [sflag:$0x1] =	stream.indirect_vreg.gather [hbm4b:s9+s3], $0x80, v4, vm0, $0xb8;
	[tilespmem:$0x4080] =	vst v63  }
0x18: {  	s12 =	simm.s32 $0x1880;
	s11 =	sadd.s32 $0x300, s2  }
0x19: {  	[tilespmem:s12], [sflag:$0x1] =	stream.indirect_vreg.gather [hbm4b:s11+s3], $0x80, v4, vm0, $0xb8;
	[tilespmem:$0x4080] =	vst v63  }
0x1a: {  	s13 =	simm.s32 $0x2080;
	s20 =	ssub.s32 $0x2, s16  }
0x1b: {  	[tilespmem:s13], [sflag:$0x1] =	stream.indirect_vreg.gather [hbm4b:s2+s3], $0x80, v3, vm0, $0xb8;
	[tilespmem:$0x4080] =	vst v63  }
0x1c: {  	s14 =	simm.s32 $0x2880;
	s15 =	simm.s32 $0x3080;
	s21 =	sshrl.u32 s20, $0x1  }
0x1d: {  	[tilespmem:s14], [sflag:$0x1] =	stream.indirect_vreg.gather [hbm4b:s7+s3], $0x80, v3, vm0, $0xb8;
	[tilespmem:$0x4080] =	vst v63  }
0x1e: {  	s17 =	simm.s32 $0x1;
	s19 =	sshll.u32 s19, $0x7;
	s31 =	ssub.s32 s20, s21  }
0x1f: {  	[tilespmem:s15], [sflag:$0x1] =	stream.indirect_vreg.gather [hbm4b:s9+s3], $0x80, v3, vm0, $0xb8;
	[tilespmem:$0x4080] =	vst v63  }
0x20: {  	s16 =	simm.s32 $0x3880;
	s18 =	sadd.s32 s19, s18;
	s19 =	smax.u32 s31, $0x1  }
0x21: {  	[tilespmem:s16], [sflag:$0x1] =	stream.indirect_vreg.gather [hbm4b:s11+s3], $0x80, v3, vm0, $0xb8;
	[tilespmem:$0x4080] =	vst v63  }
0x22: {  	p0 =	sne.s32 s19, $0x1;
	_ =	swait.ge [sflag:s17], $0x4000  }
.Ltmp0:
0x23: {  	[sflag:s17] =	ssyncset.done $0x0;
	(pc) =	sbr.rel @!p0 .LBB2_2-.Ltmp0, $4  }
0x24: {  	s18 =	sadd.s32 $0x1C00, s18;
	[sflag:s17] =	ssyncadd.s32 $0xFFFFC000  }
0x25: {  	[hbm4b:s18+s3] =	stream.linear.scatter [tilespmem:s6], [sflag:$0x2], $0x4000, $0x38;
	[tilespmem:$0x4080] =	vst v63  }
0x26: {  	_ =	swait.ge [sflag:s4], $0x4000  }
0x27: {  	s19 =	sadd.s32 $0xFFFFFFFF, s19;
	[sflag:s4] =	ssyncset.done $0x0  }
.LBB2_1:
0x28: {  	p0 =	sne.s32 s19, $0x1;
	s19 =	sadd.s32 $0xFFFFFFFF, s19;
	[sflag:s4] =	ssyncadd.s32 $0xFFFFC000  }
0x29: {  	[tilespmem:s3], [sflag:$0x2] =	stream.linear.gather [hbm4b:s5+s3], $0x10, $0x38;
	[tilespmem:$0x4080] =	vst v63  }
0x2a: {  	_ =	swait.ge [sflag:s4], $0x10  }
0x2b: {  	[sflag:s4] =	ssyncset.done $0x0  }
0x2c: {  	[sflag:s4] =	ssyncadd.s32 $0xFFFFFFF0  }
0x2d: {  	v3 =	vld [tilespmem:$0x0];
	_ =	sdelay $0x4  }
0x2e: {  	v4 =	vshll.u32 v3, $0x3  }
0x2f: {  	v3 =	vand.u32 $0x7, v3;
	v4 =	vand.u32 $0xFFFFFFC0, v4  }
0x30: {  	v3 =	vor.u32 v3, v4  }
0x31: {  	v4 =	vperm.xlane v3, v0;
	v3 =	vperm.xlane v3, v2;
	_ =	sdelay $0x1  }
0x32: {  	v4 =	vadd.s32 v1, v4;
	_ =	sdelay $0x4  }
0x33: {  	[tilespmem:s6], [sflag:$0x1] =	stream.indirect_vreg.gather [hbm4b:s2+s3], $0x80, v4, vm0, $0xb8;
	[tilespmem:$0x4080] =	vst v63  }
0x34: {  	_ = 	snop  }
0x35: {  	[tilespmem:s8], [sflag:$0x1] =	stream.indirect_vreg.gather [hbm4b:s7+s3], $0x80, v4, vm0, $0xb8;
	[tilespmem:$0x4080] =	vst v63  }
0x36: {  	v3 =	vadd.s32 v1, v3  }
0x37: {  	[tilespmem:s10], [sflag:$0x1] =	stream.indirect_vreg.gather [hbm4b:s9+s3], $0x80, v4, vm0, $0xb8;
	[tilespmem:$0x4080] =	vst v63  }
0x38: {  	_ = 	snop  }
0x39: {  	[tilespmem:s12], [sflag:$0x1] =	stream.indirect_vreg.gather [hbm4b:s11+s3], $0x80, v4, vm0, $0xb8;
	[tilespmem:$0x4080] =	vst v63  }
0x3a: {  	_ = 	snop  }
0x3b: {  	[tilespmem:s13], [sflag:$0x1] =	stream.indirect_vreg.gather [hbm4b:s2+s3], $0x80, v3, vm0, $0xb8;
	[tilespmem:$0x4080] =	vst v63  }
0x3c: {  	_ = 	snop  }
0x3d: {  	[tilespmem:s14], [sflag:$0x1] =	stream.indirect_vreg.gather [hbm4b:s7+s3], $0x80, v3, vm0, $0xb8;
	[tilespmem:$0x4080] =	vst v63  }
0x3e: {  	_ = 	snop  }
0x3f: {  	[tilespmem:s15], [sflag:$0x1] =	stream.indirect_vreg.gather [hbm4b:s9+s3], $0x80, v3, vm0, $0xb8;
	[tilespmem:$0x4080] =	vst v63  }
0x40: {  	_ = 	snop  }
0x41: {  	[tilespmem:s16], [sflag:$0x1] =	stream.indirect_vreg.gather [hbm4b:s11+s3], $0x80, v3, vm0, $0xb8;
	[tilespmem:$0x4080] =	vst v63  }
0x42: {  	_ =	swait.ge [sflag:s17], $0x4000  }
.Ltmp1:
0x43: {  	[sflag:s17] =	ssyncset.done $0x0;
	(pc) =	sbr.rel @p0 .LBB2_1-.Ltmp1, $4  }
0x44: {  	[sflag:s17] =	ssyncadd.s32 $0xFFFFC000  }
0x45: {  	[hbm4b:s18+s3] =	stream.linear.scatter [tilespmem:s6], [sflag:$0x2], $0x4000, $0x38;
	[tilespmem:$0x4080] =	vst v63  }
0x46: {  	_ =	swait.ge [sflag:s4], $0x4000  }
0x47: {  	[sflag:s4] =	ssyncset.done $0x0  }
.LBB2_2:
0x48: {  	[sflag:s4] =	ssyncadd.s32 $0xFFFFC000  }
0x49: {  	_ =	sfence.sel $0x180000  }
0x4a: {  	[bflag:$0x0] =	sbarrier.arrive $0xFFFF  }
0x4b: {  	p0 =	sne.s32 s0, $0x0;
	_ =	strace $0x90000047  }
0x4c: {  	s0 =	sadd.s32 @!p0 $0x100000, s1;
	[bflag:$0x2] =	sbarrier.arrive $0xFFFF  }
0x4d: {  	[sflag:s0] =	ssyncadd.tile.s32 @!p0 $0x1;
	_ =	shalt  }
.Lfunc_end2:
_tile_overlayer_lowered:
.L_overlay_start_2:
0x4e: {  	(tag) =	ssettag $0x2  }
0x4f: {  	s0 =	rddreg [dreg:$0x0];
	s2 =	stileid.u32  }
0x50: {  	s1 =	rddreg [dreg:$0x1];
	p0 =	sne.s32 s2, $0x0  }
0x51: {  	s3 =	rddreg [dreg:$0x2];
	[bflag:$0x3] =	sbarrier.arrive $0xFFFF;
	s2 =	simm.s32 @!p0 $0x1C02  }
0x52: {  	[timem:s3], [sflag:s2] =	dma.local @!p0 [hbm:s0], s1  }
0x53: {  	s0 =	simm.s32 @!p0 $0x2  }
0x54: {  	_ =	swait.ge @!p0 [sflag:s0], s1  }
0x55: {  	s1 =	ssub.s32 @!p0 $0x0, s1;
	[sflag:s0] =	ssyncset.done @!p0 $0x0  }
0x56: {  	[sflag:s0] =	ssyncadd.s32 @!p0 s1  }
0x57: {  	[bflag:$0x3] =	sbarrier.arrive $0xFFFF  }
0x58: {  	_ =	shalt  }

</sc_bundles>
